<compile_context>
chip_gen: v7x
topology: tpu7x:2x2x1
jax: 0.10.2.dev20260603
libtpu: 0.0.44.dev20260713+nightly
codegen_flags: <defaults>
</compile_context>

<pallas_src>
import functools

import jax
import jax.numpy as jnp
from jax import lax
from jax.experimental import pallas as pl
from jax.experimental.pallas import tpu as pltpu
from jax.experimental.pallas import tpu_sc as plsc

N = 65536
S = 1024
K1, K2 = 32, 64
R1SQ, R2SQ = 0.1 * 0.1, 0.2 * 0.2
EPS = 1e-5

NRES = 24576
CHUNK = 4096
NWORKERS = 32
QPW = S // NWORKERS


def _scan_step(xs, ys, zs, x2s, base_idx, v, qx, qy, qz, q2, s1, s2,
               idx1buf, idx2buf):
    d2 = (q2 + x2s) - 2.0 * ((qx * xs + qy * ys) + qz * zs)
    gi = lax.iota(jnp.int32, 16) + (base_idx + v * 16)
    m1 = (d2 < R1SQ) & jnp.full((16,), s1 < K1)
    plsc.store_compressed(idx1buf.at[pl.ds(s1, 16)], gi, mask=m1)
    s1 = s1 + plsc.all_reduce_population_count(m1)[0]
    m2 = (d2 < R2SQ) & jnp.full((16,), s2 < K2)
    plsc.store_compressed(idx2buf.at[pl.ds(s2, 16)], gi, mask=m2)
    s2 = s2 + plsc.all_reduce_population_count(m2)[0]
    return s1, s2


def _make_sc_ballquery():
    mesh = plsc.VectorSubcoreMesh(core_axis_name="c", subcore_axis_name="s")

    @functools.partial(
        pl.kernel,
        mesh=mesh,
        compiler_params=pltpu.CompilerParams(
            needs_layout_passes=False, use_tc_tiling_on_sc=False),
        out_type=[
            jax.ShapeDtypeStruct((S * K1, 16), jnp.float32),
            jax.ShapeDtypeStruct((S * K2, 16), jnp.float32),
        ],
        scratch_types=[
            pltpu.VMEM((NRES,), jnp.float32),
            pltpu.VMEM((NRES,), jnp.float32),
            pltpu.VMEM((NRES,), jnp.float32),
            pltpu.VMEM((NRES,), jnp.float32),
            pltpu.VMEM((CHUNK,), jnp.float32),
            pltpu.VMEM((CHUNK,), jnp.float32),
            pltpu.VMEM((CHUNK,), jnp.float32),
            pltpu.VMEM((CHUNK,), jnp.float32),
            pltpu.VMEM((QPW,), jnp.float32),
            pltpu.VMEM((QPW,), jnp.float32),
            pltpu.VMEM((QPW,), jnp.float32),
            pltpu.VMEM((QPW,), jnp.float32),
            pltpu.VMEM((176,), jnp.int32),
            pltpu.VMEM((208,), jnp.int32),
            pltpu.VMEM((2, K1), jnp.int32),
            pltpu.VMEM((2, K2), jnp.int32),
            pltpu.VMEM((2, K1, 16), jnp.float32),
            pltpu.VMEM((2, K2, 16), jnp.float32),
            pltpu.SemaphoreType.DMA,
            pltpu.SemaphoreType.DMA,
        ],
    )
    def sc_ballquery(ptsx, ptsy, ptsz, ptsx2, ptspad, qxh, qyh, qzh, q2h,
                     g1_hbm, g2_hbm,
                     resx, resy, resz, resx2, chx, chy, chz, chx2,
                     qxb, qyb, qzb, q2b,
                     idx1buf, idx2buf, idx1sel, idx2sel, rows1, rows2,
                     semG, semW):
        wid = lax.axis_index("s") * 2 + lax.axis_index("c")
        qbase = wid * QPW
        pltpu.sync_copy(ptsx.at[pl.ds(0, NRES)], resx)
        pltpu.sync_copy(ptsy.at[pl.ds(0, NRES)], resy)
        pltpu.sync_copy(ptsz.at[pl.ds(0, NRES)], resz)
        pltpu.sync_copy(ptsx2.at[pl.ds(0, NRES)], resx2)
        pltpu.sync_copy(qxh.at[pl.ds(qbase, QPW)], qxb)
        pltpu.sync_copy(qyh.at[pl.ds(qbase, QPW)], qyb)
        pltpu.sync_copy(qzh.at[pl.ds(qbase, QPW)], qzb)
        pltpu.sync_copy(q2h.at[pl.ds(qbase, QPW)], q2b)

        def per_query(i, carry):
            qid = qbase + i
            ii = jnp.full((16,), i, jnp.int32)
            qx = plsc.load_gather(qxb, [ii])
            qy = plsc.load_gather(qyb, [ii])
            qz = plsc.load_gather(qzb, [ii])
            q2 = plsc.load_gather(q2b, [ii])

            def cond_a(c):
                v, s1, s2 = c
                return ((s1 < K1) | (s2 < K2)) & (v < NRES // 128)

            def body_a(c):
                v, s1, s2 = c
                d2s = []
                gis = []
                for u in range(8):
                    vv = v * 8 + u
                    xs = resx[pl.ds(vv * 16, 16)]
                    ys = resy[pl.ds(vv * 16, 16)]
                    zs = resz[pl.ds(vv * 16, 16)]
                    x2s = resx2[pl.ds(vv * 16, 16)]
                    d2s.append((q2 + x2s) - 2.0 * ((qx * xs + qy * ys)
                                                   + qz * zs))
                    gis.append(lax.iota(jnp.int32, 16) + vv * 16)
                c1 = jnp.full((16,), s1 < K1)
                c2 = jnp.full((16,), s2 < K2)
                m1s = [(d2 < R1SQ) & c1 for d2 in d2s]
                m2s = [(d2 < R2SQ) & c2 for d2 in d2s]

                def count(ms):
                    anym = ((ms[0] | ms[1]) | (ms[2] | ms[3])) \
                        | ((ms[4] | ms[5]) | (ms[6] | ms[7]))
                    return plsc.all_reduce_population_count(anym)[0]

                def slow1(s):
                    for u in range(8):
                        plsc.store_compressed(idx1buf.at[pl.ds(s, 16)],
                                              gis[u], mask=m1s[u])
                        s = s + plsc.all_reduce_population_count(m1s[u])[0]
                    return s

                def slow2(s):
                    for u in range(8):
                        plsc.store_compressed(idx2buf.at[pl.ds(s, 16)],
                                              gis[u], mask=m2s[u])
                        s = s + plsc.all_reduce_population_count(m2s[u])[0]
                    return s

                s1 = lax.cond(count(m1s) > 0, slow1, lambda s: s, s1)
                s2 = lax.cond(count(m2s) > 0, slow2, lambda s: s, s2)
                return v + 1, s1, s2

            _, s1, s2 = lax.while_loop(
                cond_a, body_a, (jnp.int32(0), jnp.int32(0), jnp.int32(0)))

            def cond_b(c):
                ch, s1, s2 = c
                return ((s1 < K1) | (s2 < K2)) & (ch < N // CHUNK)

            def body_b(c):
                ch, s1, s2 = c
                base = ch * CHUNK
                pltpu.sync_copy(ptsx.at[pl.ds(base, CHUNK)], chx)
                pltpu.sync_copy(ptsy.at[pl.ds(base, CHUNK)], chy)
                pltpu.sync_copy(ptsz.at[pl.ds(base, CHUNK)], chz)
                pltpu.sync_copy(ptsx2.at[pl.ds(base, CHUNK)], chx2)

                def cond_i(c2):
                    v, s1, s2 = c2
                    return ((s1 < K1) | (s2 < K2)) & (v < CHUNK // 16)

                def body_i(c2):
                    v, s1, s2 = c2
                    xs = chx[pl.ds(v * 16, 16)]
                    ys = chy[pl.ds(v * 16, 16)]
                    zs = chz[pl.ds(v * 16, 16)]
                    x2s = chx2[pl.ds(v * 16, 16)]
                    s1, s2 = _scan_step(xs, ys, zs, x2s, base, v, qx, qy, qz,
                                        q2, s1, s2, idx1buf, idx2buf)
                    return v + 1, s1, s2

                _, s1, s2 = lax.while_loop(cond_i, body_i,
                                           (jnp.int32(0), s1, s2))
                return ch + 1, s1, s2

            _, s1, s2 = lax.while_loop(cond_b, body_b,
                                       (jnp.int32(NRES // CHUNK), s1, s2))

            p = lax.rem(i, 2)
            zero16 = jnp.zeros((16,), jnp.int32)
            lanes = lax.iota(jnp.int32, 16)
            s1c = jnp.minimum(s1, K1)
            first1 = plsc.load_gather(idx1buf, [zero16])
            for j in range(K1 // 16):
                vals = idx1buf[pl.ds(j * 16, 16)]
                sel = jnp.where(lanes + j * 16 < jnp.full((16,), s1c),
                                vals, first1)
                idx1sel[p, pl.ds(j * 16, 16)] = sel
            s2c = jnp.minimum(s2, K2)
            first2 = plsc.load_gather(idx2buf, [zero16])
            for j in range(K2 // 16):
                vals = idx2buf[pl.ds(j * 16, 16)]
                sel = jnp.where(lanes + j * 16 < jnp.full((16,), s2c),
                                vals, first2)
                idx2sel[p, pl.ds(j * 16, 16)] = sel

            @pl.when(i > 0)
            def _drain_gathers():
                pltpu.make_async_copy(
                    ptspad.at[pl.ds(0, K1)], rows1.at[0], semG).wait()
                pltpu.make_async_copy(
                    ptspad.at[pl.ds(0, K2)], rows2.at[0], semG).wait()

            @pl.when(i > 1)
            def _drain_writes():
                pltpu.make_async_copy(
                    ptspad.at[pl.ds(0, K1)], rows1.at[0], semW).wait()
                pltpu.make_async_copy(
                    ptspad.at[pl.ds(0, K2)], rows2.at[0], semW).wait()

            @pl.when(i > 0)
            def _write_prev():
                pltpu.async_copy(rows1.at[1 - p],
                                 g1_hbm.at[pl.ds((qid - 1) * K1, K1)], semW)
                pltpu.async_copy(rows2.at[1 - p],
                                 g2_hbm.at[pl.ds((qid - 1) * K2, K2)], semW)

            pltpu.async_copy(ptspad.at[idx1sel.at[p]], rows1.at[p], semG)
            pltpu.async_copy(ptspad.at[idx2sel.at[p]], rows2.at[p], semG)
            return carry

        lax.fori_loop(0, QPW, per_query, jnp.int32(0))

        pltpu.make_async_copy(ptspad.at[pl.ds(0, K1)], rows1.at[0], semG).wait()
        pltpu.make_async_copy(ptspad.at[pl.ds(0, K2)], rows2.at[0], semG).wait()
        pltpu.make_async_copy(ptspad.at[pl.ds(0, K1)], rows1.at[0], semW).wait()
        pltpu.make_async_copy(ptspad.at[pl.ds(0, K2)], rows2.at[0], semW).wait()
        qlast = qbase + QPW - 1
        pltpu.sync_copy(rows1.at[(QPW - 1) % 2],
                        g1_hbm.at[pl.ds(qlast * K1, K1)])
        pltpu.sync_copy(rows2.at[(QPW - 1) % 2],
                        g2_hbm.at[pl.ds(qlast * K2, K2)])

    return sc_ballquery


_SC_CACHE = []


def _sc_ballquery(*args):
    if not _SC_CACHE:
        _SC_CACHE.append(_make_sc_ballquery())
    return _SC_CACHE[0](*args)


def _mlp_body(g1_ref, g2_ref, q1_ref, q2_ref, w1a_ref, b1a_ref, w1b_ref,
              b1b_ref, w2a_ref, b2a_ref, w2b_ref, b2b_ref, w3a_ref, w3b_ref,
              b3_ref, out_ref):
    qblk = out_ref.shape[0]
    r_i = lax.broadcasted_iota(jnp.int32, (128, 128), 0)
    c_i = lax.broadcasted_iota(jnp.int32, (128, 128), 1)
    shift = (((c_i // 16) == (r_i // 16))
             & ((c_i % 16) == (r_i % 16) + 3)
             & ((r_i % 16) < 3)).astype(jnp.float32)

    def branch(g_ref, q_ref, k, wa_ref, ba_ref, wb_ref, bb_ref):
        g = g_ref[...]
        f = (g - q_ref[...]) + jnp.dot(g, shift, precision="highest")
        h = jnp.dot(f, wa_ref[...], precision="highest") + ba_ref[0:1, :]
        h = jnp.maximum(h, 0.0)
        h = jnp.dot(h, wb_ref[...], precision="highest") + bb_ref[0:1, :]
        h = jnp.maximum(h, 0.0)
        h = jnp.max(h.reshape(qblk, k // 8, 256), axis=1)
        m = jnp.maximum(h[:, :128], h[:, 128:])
        m = jnp.maximum(m, pltpu.roll(m, 64, 1))
        m = jnp.maximum(m, pltpu.roll(m, 32, 1))
        return m[:, :32]

    f1 = branch(g1_ref, q1_ref, K1, w1a_ref, b1a_ref, w1b_ref, b1b_ref)
    f2 = branch(g2_ref, q2_ref, K2, w2a_ref, b2a_ref, w2b_ref, b2b_ref)
    out = (jnp.dot(f1, w3a_ref[...], precision="highest")
           + jnp.dot(f2, w3b_ref[...], precision="highest") + b3_ref[0:1, :])
    out_ref[...] = out


def _run_mlp(g1p, g2p, q1p, q2p, w1a, b1a, w1b, b1b, w2a, b2a, w2b, b2b,
             w3a, w3b, b3):
    qblk = 128
    grid = (S // qblk,)

    def full(a):
        return pl.BlockSpec(a.shape, lambda i: (0, 0))

    return pl.pallas_call(
        _mlp_body,
        grid=grid,
        in_specs=[
            pl.BlockSpec((qblk * K1 // 8, 128), lambda i: (i, 0)),
            pl.BlockSpec((qblk * K2 // 8, 128), lambda i: (i, 0)),
            pl.BlockSpec((qblk * K1 // 8, 128), lambda i: (i, 0)),
            pl.BlockSpec((qblk * K2 // 8, 128), lambda i: (i, 0)),
            full(w1a), full(b1a), full(w1b), full(b1b),
            full(w2a), full(b2a), full(w2b), full(b2b),
            full(w3a), full(w3b), full(b3),
        ],
        out_specs=pl.BlockSpec((qblk, 128), lambda i: (i, 0)),
        out_shape=jax.ShapeDtypeStruct((S, 128), jnp.float32),
    )(g1p, g2p, q1p, q2p, w1a, b1a, w1b, b1b, w2a, b2a, w2b, b2b,
      w3a, w3b, b3)


def kernel(pts1, W1a, g1a, b1a, W1b, g1b, b1b, W2a, g2a, b2a, W2b, g2b, b2b,
           W3, b3):
    b = pts1.shape[0]
    p = pts1[0]
    grid = p.reshape(256, 256, 3)
    pts2 = grid[4::8, 4::8].reshape(-1, 3)

    def bf16_rne(x):
        u = lax.bitcast_convert_type(x, jnp.uint32)
        r = (u + jnp.uint32(0x7FFF) + ((u >> 16) & jnp.uint32(1)))
        r = r & jnp.uint32(0xFFFF0000)
        return lax.bitcast_convert_type(r, jnp.float32)

    pbf = bf16_rne(p)
    x2 = jnp.sum(p * p, axis=-1)
    qbf = bf16_rne(pts2)
    q2 = jnp.sum(pts2 * pts2, axis=-1)
    ptspad = jnp.pad(p, ((0, 0), (0, 13)))
    qpad = jnp.pad(pts2, ((0, 0), (0, 13)))

    g1, g2 = _sc_ballquery(pbf[:, 0], pbf[:, 1], pbf[:, 2], x2, ptspad,
                           qbf[:, 0], qbf[:, 1], qbf[:, 2], q2)
    g1p = g1.reshape(S * K1 // 8, 128)
    g2p = g2.reshape(S * K2 // 8, 128)
    q1p = jnp.broadcast_to(qpad[:, None, :], (S, K1, 16)).reshape(-1, 128)
    q2p = jnp.broadcast_to(qpad[:, None, :], (S, K2, 16)).reshape(-1, 128)

    scale = 1.0 / jnp.sqrt(1.0 + EPS)
    eye8 = jnp.eye(8, dtype=jnp.float32)

    def tile8(bias):
        return jnp.tile(bias[None, :], (8, 8 * 16 // bias.shape[0]))

    def fold(w, g, bias, rows):
        wf = w * (g * scale)[None, :]
        wpad = jnp.zeros((16, w.shape[1]), w.dtype).at[:rows].set(wf)
        return jnp.kron(eye8, wpad), tile8(bias)

    w1a_p, b1a_p = fold(W1a, g1a, b1a, 6)
    w2a_p, b2a_p = fold(W2a, g2a, b2a, 6)
    w1b_f = jnp.kron(eye8, W1b * (g1b * scale)[None, :])
    w2b_f = jnp.kron(eye8, W2b * (g2b * scale)[None, :])

    def tile8b(bias):
        return jnp.tile(bias[None, :], (8, 8))

    out = _run_mlp(g1p, g2p, q1p, q2p,
                   w1a_p, b1a_p, w1b_f, tile8b(b1b),
                   w2a_p, b2a_p, w2b_f, tile8b(b2b),
                   W3[:32], W3[32:], jnp.tile(b3[None, :], (8, 1)))
    return out.reshape(b, S, 128)

# --- scband reference (transcript-rebuilt; emitter-appended) ---
"""Pipeline reference for scband-positional-sample-encoding-65944927863074 (READ-ONLY COPY).

The authoritative reference and input builder live on the scoring server;
editing this copy changes nothing except your own understanding.
"""

import jax, jax.numpy as jnp
import numpy as np

B, N, S = 1, 65536, 1024
OUT_DIM = 128
R1, R2 = 0.1, 0.2
K1, K2 = 32, 64
EPS = 1e-5


def _ball_query(radius, nsample, xyz, new_xyz):
    # xyz: [B,N,3], new_xyz: [B,S,3] -> idx int32 [B,S,nsample]
    n = xyz.shape[1]
    x2 = jnp.sum(xyz * xyz, axis=-1)          # [B,N]
    q2 = jnp.sum(new_xyz * new_xyz, axis=-1)  # [B,S]
    dist2 = q2[:, :, None] + x2[:, None, :] - 2.0 * jnp.einsum('bsc,bnc->bsn', new_xyz, xyz)
    mask = dist2 < radius * radius
    ar = jnp.arange(n, dtype=jnp.int32)
    keyv = jnp.where(mask, ar[None, None, :], n)
    # smallest nsample indices inside the ball (pointnet2 takes first-by-index)
    topv, _ = jax.lax.top_k(-keyv, nsample)
    idx = -topv
    first = idx[:, :, :1]
    idx = jnp.where(idx == n, first, idx)  # pad with first found index
    idx = jnp.where(idx == n, 0, idx)      # no point in radius -> 0
    return idx


def _group(xyz, new_xyz, idx):
    # returns channels-last grouped features [B,S,K,6] = [rel_xyz, abs_xyz]
    bi = jnp.arange(xyz.shape[0])[:, None, None]
    grouped = xyz[bi, idx]                      # [B,S,K,3]
    rel = grouped - new_xyz[:, :, None, :]      # grouped_xyz - new_xyz
    return jnp.concatenate([rel, grouped], axis=-1)


def _bn(h, g, b):
    # BatchNorm in eval mode with fresh running stats (mean=0, var=1)
    return g * (h / jnp.sqrt(1.0 + EPS)) + b


def setup_inputs(seed: int = 0) -> dict:
    key = jax.random.key(seed)
    ks = jax.random.split(key, 8)
    pts1 = jax.random.uniform(ks[0], (B, N, 3), dtype=jnp.float32)

    def w(k, cin, cout):
        return jax.random.normal(k, (cin, cout), dtype=jnp.float32) * (2.0 / cin) ** 0.5

    return {
        'pts1': pts1,
        'W1a': w(ks[1], 6, 16), 'g1a': jnp.ones((16,), jnp.float32), 'b1a': jnp.zeros((16,), jnp.float32),
        'W1b': w(ks[2], 16, 32), 'g1b': jnp.ones((32,), jnp.float32), 'b1b': jnp.zeros((32,), jnp.float32),
        'W2a': w(ks[3], 6, 16), 'g2a': jnp.ones((16,), jnp.float32), 'b2a': jnp.zeros((16,), jnp.float32),
        'W2b': w(ks[4], 16, 32), 'g2b': jnp.ones((32,), jnp.float32), 'b2b': jnp.zeros((32,), jnp.float32),
        'W3': w(ks[5], 64, OUT_DIM), 'b3': jnp.zeros((OUT_DIM,), jnp.float32),
    }


def reference(pts1, W1a, g1a, b1a, W1b, g1b, b1b, W2a, g2a, b2a, W2b, g2b, b2b, W3, b3):
    b = pts1.shape[0]
    gx = jnp.arange(4, 256, 8)
    grid = pts1.reshape(b, 256, 256, 3)
    pts2 = grid[:, gx][:, :, gx].reshape(b, -1, 3)  # [B,1024,3]

    def branch(radius, nsample, Wa, ga, ba, Wb, gb, bb):
        idx = _ball_query(radius, nsample, pts1, pts2)
        h = _group(pts1, pts2, idx)                 # [B,S,K,6]
        h = jax.nn.relu(_bn(h @ Wa, ga, ba))        # [B,S,K,16]
        h = jax.nn.relu(_bn(h @ Wb, gb, bb))        # [B,S,K,32]
        return jnp.max(h, axis=2)                   # max-pool over neighbors -> [B,S,32]

    f1 = branch(R1, K1, W1a, g1a, b1a, W1b, g1b, b1b)
    f2 = branch(R2, K2, W2a, g2a, b2a, W2b, g2b, b2b)
    feat = jnp.concatenate([f1, f2], axis=-1)       # [B,S,64]
    return feat @ W3 + b3                           # [B,S,out_dim]

if __name__ == "__main__":
    import jax
    _d = setup_inputs()
    print(jax.jit(kernel)(*tuple(_d.values())))

</pallas_src>

<mosaic_0001>
#map = affine_map<(d0, d1) -> (0)>
#map1 = affine_map<(d0, d1) -> (0, 0)>
module attributes {stable_mosaic.version = 14 : i64} {
  func.func @sc_ballquery(%arg0: i32, %arg1: i32, %arg2: memref<65536xf32, #tpu.memory_space<hbm>>, %arg3: memref<65536xf32, #tpu.memory_space<hbm>>, %arg4: memref<65536xf32, #tpu.memory_space<hbm>>, %arg5: memref<65536xf32, #tpu.memory_space<hbm>>, %arg6: memref<65536x16xf32, #tpu.memory_space<hbm>>, %arg7: memref<1024xf32, #tpu.memory_space<hbm>>, %arg8: memref<1024xf32, #tpu.memory_space<hbm>>, %arg9: memref<1024xf32, #tpu.memory_space<hbm>>, %arg10: memref<1024xf32, #tpu.memory_space<hbm>>, %arg11: memref<32768x16xf32, #tpu.memory_space<hbm>>, %arg12: memref<65536x16xf32, #tpu.memory_space<hbm>>, %arg13: memref<24576xf32, #tpu.memory_space<vmem>>, %arg14: memref<24576xf32, #tpu.memory_space<vmem>>, %arg15: memref<24576xf32, #tpu.memory_space<vmem>>, %arg16: memref<24576xf32, #tpu.memory_space<vmem>>, %arg17: memref<4096xf32, #tpu.memory_space<vmem>>, %arg18: memref<4096xf32, #tpu.memory_space<vmem>>, %arg19: memref<4096xf32, #tpu.memory_space<vmem>>, %arg20: memref<4096xf32, #tpu.memory_space<vmem>>, %arg21: memref<32xf32, #tpu.memory_space<vmem>>, %arg22: memref<32xf32, #tpu.memory_space<vmem>>, %arg23: memref<32xf32, #tpu.memory_space<vmem>>, %arg24: memref<32xf32, #tpu.memory_space<vmem>>, %arg25: memref<176xi32, #tpu.memory_space<vmem>>, %arg26: memref<208xi32, #tpu.memory_space<vmem>>, %arg27: memref<2x32xi32, #tpu.memory_space<vmem>>, %arg28: memref<2x64xi32, #tpu.memory_space<vmem>>, %arg29: memref<2x32x16xf32, #tpu.memory_space<vmem>>, %arg30: memref<2x64x16xf32, #tpu.memory_space<vmem>>, %arg31: memref<!tpu.dma_semaphore, #tpu.memory_space<semaphore_mem>>, %arg32: memref<!tpu.dma_semaphore, #tpu.memory_space<semaphore_mem>>) attributes {dimension_semantics = [#tpu.dimension_semantics<core_parallel>, #tpu.dimension_semantics<subcore_parallel>], iteration_bounds = array<i64: 2, 16>, scalar_prefetch = 0 : i64, scratch_operands = 20 : i64, tpu.core_type = #tpu.core_type<sc_vector_subcore>, window_params = [{transform_indices = #map}, {transform_indices = #map}, {transform_indices = #map}, {transform_indices = #map}, {transform_indices = #map1}, {transform_indices = #map}, {transform_indices = #map}, {transform_indices = #map}, {transform_indices = #map}, {transform_indices = #map1}, {transform_indices = #map1}]} {
    %mul3A = arith.constant 2 : i32
    %mul3A_0 = arith.muli %arg1, %mul3A : i32
    %add3A = arith.addi %mul3A_0, %arg0 : i32
    %mul3A_1 = arith.constant 32 : i32
    %mul3A_2 = arith.muli %add3A, %mul3A_1 : i32
    "tpu.region"() ({
      %run_scoped3A_75 = tpu.sem_alloc : memref<!tpu.dma_semaphore, #tpu.memory_space<semaphore_mem>>
      %dma_start3A = arith.constant 0 : i32
      %dma_start3A_76 = tpu.memref_slice %arg2[%dma_start3A] : memref<65536xf32, #tpu.memory_space<hbm>> -> memref<24576xf32, #tpu.memory_space<hbm>>
      %dma_start3A_77 = arith.constant 0 : i32
      %dma_start3A_78 = tpu.memref_slice %arg2[%dma_start3A_77] : memref<65536xf32, #tpu.memory_space<hbm>> -> memref<24576xf32, #tpu.memory_space<hbm>>
      tpu.enqueue_dma source(%dma_start3A_78 : memref<24576xf32, #tpu.memory_space<hbm>>) target(%arg13 : memref<24576xf32, #tpu.memory_space<vmem>>) target_semaphore(%run_scoped3A_75 : memref<!tpu.dma_semaphore, #tpu.memory_space<semaphore_mem>>)
      %dma_wait3A_79 = arith.constant 0 : i32
      %dma_wait3A_80 = tpu.memref_slice %arg2[%dma_wait3A_79] : memref<65536xf32, #tpu.memory_space<hbm>> -> memref<24576xf32, #tpu.memory_space<hbm>>
      %dma_wait3A_81 = arith.constant 0 : i32
      %dma_wait3A_82 = tpu.memref_slice %arg2[%dma_wait3A_81] : memref<65536xf32, #tpu.memory_space<hbm>> -> memref<24576xf32, #tpu.memory_space<hbm>>
      tpu.wait_dma2 semaphore(%run_scoped3A_75 : memref<!tpu.dma_semaphore, #tpu.memory_space<semaphore_mem>>) src(%dma_wait3A_82 : memref<24576xf32, #tpu.memory_space<hbm>>) dst(%arg13 : memref<24576xf32, #tpu.memory_space<vmem>>)
      tpu.yield
    }) : () -> ()
    "tpu.region"() ({
      %run_scoped3A_75 = tpu.sem_alloc : memref<!tpu.dma_semaphore, #tpu.memory_space<semaphore_mem>>
      %dma_start3A = arith.constant 0 : i32
      %dma_start3A_76 = tpu.memref_slice %arg3[%dma_start3A] : memref<65536xf32, #tpu.memory_space<hbm>> -> memref<24576xf32, #tpu.memory_space<hbm>>
      %dma_start3A_77 = arith.constant 0 : i32
      %dma_start3A_78 = tpu.memref_slice %arg3[%dma_start3A_77] : memref<65536xf32, #tpu.memory_space<hbm>> -> memref<24576xf32, #tpu.memory_space<hbm>>
      tpu.enqueue_dma source(%dma_start3A_78 : memref<24576xf32, #tpu.memory_space<hbm>>) target(%arg14 : memref<24576xf32, #tpu.memory_space<vmem>>) target_semaphore(%run_scoped3A_75 : memref<!tpu.dma_semaphore, #tpu.memory_space<semaphore_mem>>)
      %dma_wait3A_79 = arith.constant 0 : i32
      %dma_wait3A_80 = tpu.memref_slice %arg3[%dma_wait3A_79] : memref<65536xf32, #tpu.memory_space<hbm>> -> memref<24576xf32, #tpu.memory_space<hbm>>
      %dma_wait3A_81 = arith.constant 0 : i32
      %dma_wait3A_82 = tpu.memref_slice %arg3[%dma_wait3A_81] : memref<65536xf32, #tpu.memory_space<hbm>> -> memref<24576xf32, #tpu.memory_space<hbm>>
      tpu.wait_dma2 semaphore(%run_scoped3A_75 : memref<!tpu.dma_semaphore, #tpu.memory_space<semaphore_mem>>) src(%dma_wait3A_82 : memref<24576xf32, #tpu.memory_space<hbm>>) dst(%arg14 : memref<24576xf32, #tpu.memory_space<vmem>>)
      tpu.yield
    }) : () -> ()
    "tpu.region"() ({
      %run_scoped3A_75 = tpu.sem_alloc : memref<!tpu.dma_semaphore, #tpu.memory_space<semaphore_mem>>
      %dma_start3A = arith.constant 0 : i32
      %dma_start3A_76 = tpu.memref_slice %arg4[%dma_start3A] : memref<65536xf32, #tpu.memory_space<hbm>> -> memref<24576xf32, #tpu.memory_space<hbm>>
      %dma_start3A_77 = arith.constant 0 : i32
      %dma_start3A_78 = tpu.memref_slice %arg4[%dma_start3A_77] : memref<65536xf32, #tpu.memory_space<hbm>> -> memref<24576xf32, #tpu.memory_space<hbm>>
      tpu.enqueue_dma source(%dma_start3A_78 : memref<24576xf32, #tpu.memory_space<hbm>>) target(%arg15 : memref<24576xf32, #tpu.memory_space<vmem>>) target_semaphore(%run_scoped3A_75 : memref<!tpu.dma_semaphore, #tpu.memory_space<semaphore_mem>>)
      %dma_wait3A_79 = arith.constant 0 : i32
      %dma_wait3A_80 = tpu.memref_slice %arg4[%dma_wait3A_79] : memref<65536xf32, #tpu.memory_space<hbm>> -> memref<24576xf32, #tpu.memory_space<hbm>>
      %dma_wait3A_81 = arith.constant 0 : i32
      %dma_wait3A_82 = tpu.memref_slice %arg4[%dma_wait3A_81] : memref<65536xf32, #tpu.memory_space<hbm>> -> memref<24576xf32, #tpu.memory_space<hbm>>
      tpu.wait_dma2 semaphore(%run_scoped3A_75 : memref<!tpu.dma_semaphore, #tpu.memory_space<semaphore_mem>>) src(%dma_wait3A_82 : memref<24576xf32, #tpu.memory_space<hbm>>) dst(%arg15 : memref<24576xf32, #tpu.memory_space<vmem>>)
      tpu.yield
    }) : () -> ()
    "tpu.region"() ({
      %run_scoped3A_75 = tpu.sem_alloc : memref<!tpu.dma_semaphore, #tpu.memory_space<semaphore_mem>>
      %dma_start3A = arith.constant 0 : i32
      %dma_start3A_76 = tpu.memref_slice %arg5[%dma_start3A] : memref<65536xf32, #tpu.memory_space<hbm>> -> memref<24576xf32, #tpu.memory_space<hbm>>
      %dma_start3A_77 = arith.constant 0 : i32
      %dma_start3A_78 = tpu.memref_slice %arg5[%dma_start3A_77] : memref<65536xf32, #tpu.memory_space<hbm>> -> memref<24576xf32, #tpu.memory_space<hbm>>
      tpu.enqueue_dma source(%dma_start3A_78 : memref<24576xf32, #tpu.memory_space<hbm>>) target(%arg16 : memref<24576xf32, #tpu.memory_space<vmem>>) target_semaphore(%run_scoped3A_75 : memref<!tpu.dma_semaphore, #tpu.memory_space<semaphore_mem>>)
      %dma_wait3A_79 = arith.constant 0 : i32
      %dma_wait3A_80 = tpu.memref_slice %arg5[%dma_wait3A_79] : memref<65536xf32, #tpu.memory_space<hbm>> -> memref<24576xf32, #tpu.memory_space<hbm>>
      %dma_wait3A_81 = arith.constant 0 : i32
      %dma_wait3A_82 = tpu.memref_slice %arg5[%dma_wait3A_81] : memref<65536xf32, #tpu.memory_space<hbm>> -> memref<24576xf32, #tpu.memory_space<hbm>>
      tpu.wait_dma2 semaphore(%run_scoped3A_75 : memref<!tpu.dma_semaphore, #tpu.memory_space<semaphore_mem>>) src(%dma_wait3A_82 : memref<24576xf32, #tpu.memory_space<hbm>>) dst(%arg16 : memref<24576xf32, #tpu.memory_space<vmem>>)
      tpu.yield
    }) : () -> ()
    "tpu.region"() ({
      %run_scoped3A_75 = tpu.sem_alloc : memref<!tpu.dma_semaphore, #tpu.memory_space<semaphore_mem>>
      %dma_start3A = tpu.memref_slice %arg7[%mul3A_2] : memref<1024xf32, #tpu.memory_space<hbm>> -> memref<32xf32, #tpu.memory_space<hbm>>
      %dma_start3A_76 = tpu.memref_slice %arg7[%mul3A_2] : memref<1024xf32, #tpu.memory_space<hbm>> -> memref<32xf32, #tpu.memory_space<hbm>>
      tpu.enqueue_dma source(%dma_start3A_76 : memref<32xf32, #tpu.memory_space<hbm>>) target(%arg21 : memref<32xf32, #tpu.memory_space<vmem>>) target_semaphore(%run_scoped3A_75 : memref<!tpu.dma_semaphore, #tpu.memory_space<semaphore_mem>>)
      %dma_wait3A_77 = tpu.memref_slice %arg7[%mul3A_2] : memref<1024xf32, #tpu.memory_space<hbm>> -> memref<32xf32, #tpu.memory_space<hbm>>
      %dma_wait3A_78 = tpu.memref_slice %arg7[%mul3A_2] : memref<1024xf32, #tpu.memory_space<hbm>> -> memref<32xf32, #tpu.memory_space<hbm>>
      tpu.wait_dma2 semaphore(%run_scoped3A_75 : memref<!tpu.dma_semaphore, #tpu.memory_space<semaphore_mem>>) src(%dma_wait3A_78 : memref<32xf32, #tpu.memory_space<hbm>>) dst(%arg21 : memref<32xf32, #tpu.memory_space<vmem>>)
      tpu.yield
    }) : () -> ()
    "tpu.region"() ({
      %run_scoped3A_75 = tpu.sem_alloc : memref<!tpu.dma_semaphore, #tpu.memory_space<semaphore_mem>>
      %dma_start3A = tpu.memref_slice %arg8[%mul3A_2] : memref<1024xf32, #tpu.memory_space<hbm>> -> memref<32xf32, #tpu.memory_space<hbm>>
      %dma_start3A_76 = tpu.memref_slice %arg8[%mul3A_2] : memref<1024xf32, #tpu.memory_space<hbm>> -> memref<32xf32, #tpu.memory_space<hbm>>
      tpu.enqueue_dma source(%dma_start3A_76 : memref<32xf32, #tpu.memory_space<hbm>>) target(%arg22 : memref<32xf32, #tpu.memory_space<vmem>>) target_semaphore(%run_scoped3A_75 : memref<!tpu.dma_semaphore, #tpu.memory_space<semaphore_mem>>)
      %dma_wait3A_77 = tpu.memref_slice %arg8[%mul3A_2] : memref<1024xf32, #tpu.memory_space<hbm>> -> memref<32xf32, #tpu.memory_space<hbm>>
      %dma_wait3A_78 = tpu.memref_slice %arg8[%mul3A_2] : memref<1024xf32, #tpu.memory_space<hbm>> -> memref<32xf32, #tpu.memory_space<hbm>>
      tpu.wait_dma2 semaphore(%run_scoped3A_75 : memref<!tpu.dma_semaphore, #tpu.memory_space<semaphore_mem>>) src(%dma_wait3A_78 : memref<32xf32, #tpu.memory_space<hbm>>) dst(%arg22 : memref<32xf32, #tpu.memory_space<vmem>>)
      tpu.yield
    }) : () -> ()
    "tpu.region"() ({
      %run_scoped3A_75 = tpu.sem_alloc : memref<!tpu.dma_semaphore, #tpu.memory_space<semaphore_mem>>
      %dma_start3A = tpu.memref_slice %arg9[%mul3A_2] : memref<1024xf32, #tpu.memory_space<hbm>> -> memref<32xf32, #tpu.memory_space<hbm>>
      %dma_start3A_76 = tpu.memref_slice %arg9[%mul3A_2] : memref<1024xf32, #tpu.memory_space<hbm>> -> memref<32xf32, #tpu.memory_space<hbm>>
      tpu.enqueue_dma source(%dma_start3A_76 : memref<32xf32, #tpu.memory_space<hbm>>) target(%arg23 : memref<32xf32, #tpu.memory_space<vmem>>) target_semaphore(%run_scoped3A_75 : memref<!tpu.dma_semaphore, #tpu.memory_space<semaphore_mem>>)
      %dma_wait3A_77 = tpu.memref_slice %arg9[%mul3A_2] : memref<1024xf32, #tpu.memory_space<hbm>> -> memref<32xf32, #tpu.memory_space<hbm>>
      %dma_wait3A_78 = tpu.memref_slice %arg9[%mul3A_2] : memref<1024xf32, #tpu.memory_space<hbm>> -> memref<32xf32, #tpu.memory_space<hbm>>
      tpu.wait_dma2 semaphore(%run_scoped3A_75 : memref<!tpu.dma_semaphore, #tpu.memory_space<semaphore_mem>>) src(%dma_wait3A_78 : memref<32xf32, #tpu.memory_space<hbm>>) dst(%arg23 : memref<32xf32, #tpu.memory_space<vmem>>)
      tpu.yield
    }) : () -> ()
    "tpu.region"() ({
      %run_scoped3A_75 = tpu.sem_alloc : memref<!tpu.dma_semaphore, #tpu.memory_space<semaphore_mem>>
      %dma_start3A = tpu.memref_slice %arg10[%mul3A_2] : memref<1024xf32, #tpu.memory_space<hbm>> -> memref<32xf32, #tpu.memory_space<hbm>>
      %dma_start3A_76 = tpu.memref_slice %arg10[%mul3A_2] : memref<1024xf32, #tpu.memory_space<hbm>> -> memref<32xf32, #tpu.memory_space<hbm>>
      tpu.enqueue_dma source(%dma_start3A_76 : memref<32xf32, #tpu.memory_space<hbm>>) target(%arg24 : memref<32xf32, #tpu.memory_space<vmem>>) target_semaphore(%run_scoped3A_75 : memref<!tpu.dma_semaphore, #tpu.memory_space<semaphore_mem>>)
      %dma_wait3A_77 = tpu.memref_slice %arg10[%mul3A_2] : memref<1024xf32, #tpu.memory_space<hbm>> -> memref<32xf32, #tpu.memory_space<hbm>>
      %dma_wait3A_78 = tpu.memref_slice %arg10[%mul3A_2] : memref<1024xf32, #tpu.memory_space<hbm>> -> memref<32xf32, #tpu.memory_space<hbm>>
      tpu.wait_dma2 semaphore(%run_scoped3A_75 : memref<!tpu.dma_semaphore, #tpu.memory_space<semaphore_mem>>) src(%dma_wait3A_78 : memref<32xf32, #tpu.memory_space<hbm>>) dst(%arg24 : memref<32xf32, #tpu.memory_space<vmem>>)
      tpu.yield
    }) : () -> ()
    %scan3A = arith.constant 0 : i32
    %scan3A_3 = arith.constant 0 : i32
    %scan3A_4 = arith.constant 32 : i32
    %scan3A_5 = arith.addi %scan3A_3, %scan3A_4 : i32
    %scan3A_6 = arith.constant 1 : i32
    scf.for %scan3A_75 = %scan3A_3 to %scan3A_5 step %scan3A_6  : i32 {
      %add3A_76 = arith.addi %mul3A_2, %scan3A_75 : i32
      %broadcast_in_dim3A = vector.broadcast %scan3A_75 : i32 to vector<16xi32>
      %gather3A = tpu.vector_load_idx %arg21[%broadcast_in_dim3A] : memref<32xf32, #tpu.memory_space<vmem>>[vector<16xi32>], vector<16xf32>,
      %gather3A_77 = tpu.vector_load_idx %arg22[%broadcast_in_dim3A] : memref<32xf32, #tpu.memory_space<vmem>>[vector<16xi32>], vector<16xf32>,
      %gather3A_78 = tpu.vector_load_idx %arg23[%broadcast_in_dim3A] : memref<32xf32, #tpu.memory_space<vmem>>[vector<16xi32>], vector<16xf32>,
      %gather3A_79 = tpu.vector_load_idx %arg24[%broadcast_in_dim3A] : memref<32xf32, #tpu.memory_space<vmem>>[vector<16xi32>], vector<16xf32>,
      %while3A = arith.constant 0 : i32
      %while3A_80 = arith.constant 0 : i32
      %while3A_81 = arith.constant 0 : i32
      %while3A_82:3 = scf.while (%while3A_186 = %while3A, %while3A_187 = %while3A_80, %while3A_188 = %while3A_81) : (i32, i32, i32) -> (i32, i32, i32) {
        %lt3A_189 = arith.constant 32 : i32
        %lt3A_190 = arith.cmpi slt, %while3A_187, %lt3A_189 : i32
        %lt3A_191 = arith.constant 64 : i32
        %lt3A_192 = arith.cmpi slt, %while3A_188, %lt3A_191 : i32
        %or3A = arith.ori %lt3A_190, %lt3A_192 : i1
        %lt3A_193 = arith.constant 192 : i32
        %lt3A_194 = arith.cmpi slt, %while3A_186, %lt3A_193 : i32
        %and3A = arith.andi %or3A, %lt3A_194 : i1
        scf.condition(%and3A) %while3A_186, %while3A_187, %while3A_188 : i32, i32, i32
      } do {
      ^bb0(%while3A_186: i32, %while3A_187: i32, %while3A_188: i32):
        %mul3A_189 = arith.constant 8 : i32
        %mul3A_190 = arith.muli %while3A_186, %mul3A_189 : i32
        %add3A_191 = arith.constant 0 : i32
        %add3A_192 = arith.addi %mul3A_190, %add3A_191 : i32
        %mul3A_193 = arith.constant 16 : i32
        %mul3A_194 = arith.muli %add3A_192, %mul3A_193 : i32
        %get3A_195 = arith.index_cast %mul3A_194 : i32 to index
        %get3A_196 = tpu.vector_load %arg13[%get3A_195] {strides = array<i32>} : memref<24576xf32, #tpu.memory_space<vmem>>, vector<16xf32>,
        %mul3A_197 = arith.constant 16 : i32
        %mul3A_198 = arith.muli %add3A_192, %mul3A_197 : i32
        %get3A_199 = arith.index_cast %mul3A_198 : i32 to index
        %get3A_200 = tpu.vector_load %arg14[%get3A_199] {strides = array<i32>} : memref<24576xf32, #tpu.memory_space<vmem>>, vector<16xf32>,
        %mul3A_201 = arith.constant 16 : i32
        %mul3A_202 = arith.muli %add3A_192, %mul3A_201 : i32
        %get3A_203 = arith.index_cast %mul3A_202 : i32 to index
        %get3A_204 = tpu.vector_load %arg15[%get3A_203] {strides = array<i32>} : memref<24576xf32, #tpu.memory_space<vmem>>, vector<16xf32>,
        %mul3A_205 = arith.constant 16 : i32
        %mul3A_206 = arith.muli %add3A_192, %mul3A_205 : i32
        %get3A_207 = arith.index_cast %mul3A_206 : i32 to index
        %get3A_208 = tpu.vector_load %arg16[%get3A_207] {strides = array<i32>} : memref<24576xf32, #tpu.memory_space<vmem>>, vector<16xf32>,
        %add3A_209 = arith.addf %gather3A_79, %get3A_208 : vector<16xf32>
        %mul3A_210 = arith.mulf %gather3A, %get3A_196 : vector<16xf32>
        %mul3A_211 = arith.mulf %gather3A_77, %get3A_200 : vector<16xf32>
        %add3A_212 = arith.addf %mul3A_210, %mul3A_211 : vector<16xf32>
        %mul3A_213 = arith.mulf %gather3A_78, %get3A_204 : vector<16xf32>
        %add3A_214 = arith.addf %add3A_212, %mul3A_213 : vector<16xf32>
        %mul3A_215 = arith.constant 2.000000e+00 : f32
        %mul3A_216 = vector.broadcast %mul3A_215 : f32 to vector<16xf32>
        %mul3A_217 = arith.mulf %mul3A_216, %add3A_214 : vector<16xf32>
        %sub3A_218 = arith.subf %add3A_209, %mul3A_217 : vector<16xf32>
        %iota3A_219 = tpu.iota {dimensions = array<i32: 0>} : vector<16xi32>
        %mul3A_220 = arith.constant 16 : i32
        %mul3A_221 = arith.muli %add3A_192, %mul3A_220 : i32
        %add3A_222 = vector.broadcast %mul3A_221 : i32 to vector<16xi32>
        %add3A_223 = arith.addi %iota3A_219, %add3A_222 : vector<16xi32>
        %mul3A_224 = arith.constant 8 : i32
        %mul3A_225 = arith.muli %while3A_186, %mul3A_224 : i32
        %add3A_226 = arith.constant 1 : i32
        %add3A_227 = arith.addi %mul3A_225, %add3A_226 : i32
        %mul3A_228 = arith.constant 16 : i32
        %mul3A_229 = arith.muli %add3A_227, %mul3A_228 : i32
        %get3A_230 = arith.index_cast %mul3A_229 : i32 to index
        %get3A_231 = tpu.vector_load %arg13[%get3A_230] {strides = array<i32>} : memref<24576xf32, #tpu.memory_space<vmem>>, vector<16xf32>,
        %mul3A_232 = arith.constant 16 : i32
        %mul3A_233 = arith.muli %add3A_227, %mul3A_232 : i32
        %get3A_234 = arith.index_cast %mul3A_233 : i32 to index
        %get3A_235 = tpu.vector_load %arg14[%get3A_234] {strides = array<i32>} : memref<24576xf32, #tpu.memory_space<vmem>>, vector<16xf32>,
        %mul3A_236 = arith.constant 16 : i32
        %mul3A_237 = arith.muli %add3A_227, %mul3A_236 : i32
        %get3A_238 = arith.index_cast %mul3A_237 : i32 to index
        %get3A_239 = tpu.vector_load %arg15[%get3A_238] {strides = array<i32>} : memref<24576xf32, #tpu.memory_space<vmem>>, vector<16xf32>,
        %mul3A_240 = arith.constant 16 : i32
        %mul3A_241 = arith.muli %add3A_227, %mul3A_240 : i32
        %get3A_242 = arith.index_cast %mul3A_241 : i32 to index
        %get3A_243 = tpu.vector_load %arg16[%get3A_242] {strides = array<i32>} : memref<24576xf32, #tpu.memory_space<vmem>>, vector<16xf32>,
        %add3A_244 = arith.addf %gather3A_79, %get3A_243 : vector<16xf32>
        %mul3A_245 = arith.mulf %gather3A, %get3A_231 : vector<16xf32>
        %mul3A_246 = arith.mulf %gather3A_77, %get3A_235 : vector<16xf32>
        %add3A_247 = arith.addf %mul3A_245, %mul3A_246 : vector<16xf32>
        %mul3A_248 = arith.mulf %gather3A_78, %get3A_239 : vector<16xf32>
        %add3A_249 = arith.addf %add3A_247, %mul3A_248 : vector<16xf32>
        %mul3A_250 = arith.constant 2.000000e+00 : f32
        %mul3A_251 = vector.broadcast %mul3A_250 : f32 to vector<16xf32>
        %mul3A_252 = arith.mulf %mul3A_251, %add3A_249 : vector<16xf32>
        %sub3A_253 = arith.subf %add3A_244, %mul3A_252 : vector<16xf32>
        %iota3A_254 = tpu.iota {dimensions = array<i32: 0>} : vector<16xi32>
        %mul3A_255 = arith.constant 16 : i32
        %mul3A_256 = arith.muli %add3A_227, %mul3A_255 : i32
        %add3A_257 = vector.broadcast %mul3A_256 : i32 to vector<16xi32>
        %add3A_258 = arith.addi %iota3A_254, %add3A_257 : vector<16xi32>
        %mul3A_259 = arith.constant 8 : i32
        %mul3A_260 = arith.muli %while3A_186, %mul3A_259 : i32
        %add3A_261 = arith.constant 2 : i32
        %add3A_262 = arith.addi %mul3A_260, %add3A_261 : i32
        %mul3A_263 = arith.constant 16 : i32
        %mul3A_264 = arith.muli %add3A_262, %mul3A_263 : i32
        %get3A_265 = arith.index_cast %mul3A_264 : i32 to index
        %get3A_266 = tpu.vector_load %arg13[%get3A_265] {strides = array<i32>} : memref<24576xf32, #tpu.memory_space<vmem>>, vector<16xf32>,
        %mul3A_267 = arith.constant 16 : i32
        %mul3A_268 = arith.muli %add3A_262, %mul3A_267 : i32
        %get3A_269 = arith.index_cast %mul3A_268 : i32 to index
        %get3A_270 = tpu.vector_load %arg14[%get3A_269] {strides = array<i32>} : memref<24576xf32, #tpu.memory_space<vmem>>, vector<16xf32>,
        %mul3A_271 = arith.constant 16 : i32
        %mul3A_272 = arith.muli %add3A_262, %mul3A_271 : i32
        %get3A_273 = arith.index_cast %mul3A_272 : i32 to index
        %get3A_274 = tpu.vector_load %arg15[%get3A_273] {strides = array<i32>} : memref<24576xf32, #tpu.memory_space<vmem>>, vector<16xf32>,
        %mul3A_275 = arith.constant 16 : i32
        %mul3A_276 = arith.muli %add3A_262, %mul3A_275 : i32
        %get3A_277 = arith.index_cast %mul3A_276 : i32 to index
        %get3A_278 = tpu.vector_load %arg16[%get3A_277] {strides = array<i32>} : memref<24576xf32, #tpu.memory_space<vmem>>, vector<16xf32>,
        %add3A_279 = arith.addf %gather3A_79, %get3A_278 : vector<16xf32>
        %mul3A_280 = arith.mulf %gather3A, %get3A_266 : vector<16xf32>
        %mul3A_281 = arith.mulf %gather3A_77, %get3A_270 : vector<16xf32>
        %add3A_282 = arith.addf %mul3A_280, %mul3A_281 : vector<16xf32>
        %mul3A_283 = arith.mulf %gather3A_78, %get3A_274 : vector<16xf32>
        %add3A_284 = arith.addf %add3A_282, %mul3A_283 : vector<16xf32>
        %mul3A_285 = arith.constant 2.000000e+00 : f32
        %mul3A_286 = vector.broadcast %mul3A_285 : f32 to vector<16xf32>
        %mul3A_287 = arith.mulf %mul3A_286, %add3A_284 : vector<16xf32>
        %sub3A_288 = arith.subf %add3A_279, %mul3A_287 : vector<16xf32>
        %iota3A_289 = tpu.iota {dimensions = array<i32: 0>} : vector<16xi32>
        %mul3A_290 = arith.constant 16 : i32
        %mul3A_291 = arith.muli %add3A_262, %mul3A_290 : i32
        %add3A_292 = vector.broadcast %mul3A_291 : i32 to vector<16xi32>
        %add3A_293 = arith.addi %iota3A_289, %add3A_292 : vector<16xi32>
        %mul3A_294 = arith.constant 8 : i32
        %mul3A_295 = arith.muli %while3A_186, %mul3A_294 : i32
        %add3A_296 = arith.constant 3 : i32
        %add3A_297 = arith.addi %mul3A_295, %add3A_296 : i32
        %mul3A_298 = arith.constant 16 : i32
        %mul3A_299 = arith.muli %add3A_297, %mul3A_298 : i32
        %get3A_300 = arith.index_cast %mul3A_299 : i32 to index
        %get3A_301 = tpu.vector_load %arg13[%get3A_300] {strides = array<i32>} : memref<24576xf32, #tpu.memory_space<vmem>>, vector<16xf32>,
        %mul3A_302 = arith.constant 16 : i32
        %mul3A_303 = arith.muli %add3A_297, %mul3A_302 : i32
        %get3A_304 = arith.index_cast %mul3A_303 : i32 to index
        %get3A_305 = tpu.vector_load %arg14[%get3A_304] {strides = array<i32>} : memref<24576xf32, #tpu.memory_space<vmem>>, vector<16xf32>,
        %mul3A_306 = arith.constant 16 : i32
        %mul3A_307 = arith.muli %add3A_297, %mul3A_306 : i32
        %get3A_308 = arith.index_cast %mul3A_307 : i32 to index
        %get3A_309 = tpu.vector_load %arg15[%get3A_308] {strides = array<i32>} : memref<24576xf32, #tpu.memory_space<vmem>>, vector<16xf32>,
        %mul3A_310 = arith.constant 16 : i32
        %mul3A_311 = arith.muli %add3A_297, %mul3A_310 : i32
        %get3A_312 = arith.index_cast %mul3A_311 : i32 to index
        %get3A_313 = tpu.vector_load %arg16[%get3A_312] {strides = array<i32>} : memref<24576xf32, #tpu.memory_space<vmem>>, vector<16xf32>,
        %add3A_314 = arith.addf %gather3A_79, %get3A_313 : vector<16xf32>
        %mul3A_315 = arith.mulf %gather3A, %get3A_301 : vector<16xf32>
        %mul3A_316 = arith.mulf %gather3A_77, %get3A_305 : vector<16xf32>
        %add3A_317 = arith.addf %mul3A_315, %mul3A_316 : vector<16xf32>
        %mul3A_318 = arith.mulf %gather3A_78, %get3A_309 : vector<16xf32>
        %add3A_319 = arith.addf %add3A_317, %mul3A_318 : vector<16xf32>
        %mul3A_320 = arith.constant 2.000000e+00 : f32
        %mul3A_321 = vector.broadcast %mul3A_320 : f32 to vector<16xf32>
        %mul3A_322 = arith.mulf %mul3A_321, %add3A_319 : vector<16xf32>
        %sub3A_323 = arith.subf %add3A_314, %mul3A_322 : vector<16xf32>
        %iota3A_324 = tpu.iota {dimensions = array<i32: 0>} : vector<16xi32>
        %mul3A_325 = arith.constant 16 : i32
        %mul3A_326 = arith.muli %add3A_297, %mul3A_325 : i32
        %add3A_327 = vector.broadcast %mul3A_326 : i32 to vector<16xi32>
        %add3A_328 = arith.addi %iota3A_324, %add3A_327 : vector<16xi32>
        %mul3A_329 = arith.constant 8 : i32
        %mul3A_330 = arith.muli %while3A_186, %mul3A_329 : i32
        %add3A_331 = arith.constant 4 : i32
        %add3A_332 = arith.addi %mul3A_330, %add3A_331 : i32
        %mul3A_333 = arith.constant 16 : i32
        %mul3A_334 = arith.muli %add3A_332, %mul3A_333 : i32
        %get3A_335 = arith.index_cast %mul3A_334 : i32 to index
        %get3A_336 = tpu.vector_load %arg13[%get3A_335] {strides = array<i32>} : memref<24576xf32, #tpu.memory_space<vmem>>, vector<16xf32>,
        %mul3A_337 = arith.constant 16 : i32
        %mul3A_338 = arith.muli %add3A_332, %mul3A_337 : i32
        %get3A_339 = arith.index_cast %mul3A_338 : i32 to index
        %get3A_340 = tpu.vector_load %arg14[%get3A_339] {strides = array<i32>} : memref<24576xf32, #tpu.memory_space<vmem>>, vector<16xf32>,
        %mul3A_341 = arith.constant 16 : i32
        %mul3A_342 = arith.muli %add3A_332, %mul3A_341 : i32
        %get3A_343 = arith.index_cast %mul3A_342 : i32 to index
        %get3A_344 = tpu.vector_load %arg15[%get3A_343] {strides = array<i32>} : memref<24576xf32, #tpu.memory_space<vmem>>, vector<16xf32>,
        %mul3A_345 = arith.constant 16 : i32
        %mul3A_346 = arith.muli %add3A_332, %mul3A_345 : i32
        %get3A_347 = arith.index_cast %mul3A_346 : i32 to index
        %get3A_348 = tpu.vector_load %arg16[%get3A_347] {strides = array<i32>} : memref<24576xf32, #tpu.memory_space<vmem>>, vector<16xf32>,
        %add3A_349 = arith.addf %gather3A_79, %get3A_348 : vector<16xf32>
        %mul3A_350 = arith.mulf %gather3A, %get3A_336 : vector<16xf32>
        %mul3A_351 = arith.mulf %gather3A_77, %get3A_340 : vector<16xf32>
        %add3A_352 = arith.addf %mul3A_350, %mul3A_351 : vector<16xf32>
        %mul3A_353 = arith.mulf %gather3A_78, %get3A_344 : vector<16xf32>
        %add3A_354 = arith.addf %add3A_352, %mul3A_353 : vector<16xf32>
        %mul3A_355 = arith.constant 2.000000e+00 : f32
        %mul3A_356 = vector.broadcast %mul3A_355 : f32 to vector<16xf32>
        %mul3A_357 = arith.mulf %mul3A_356, %add3A_354 : vector<16xf32>
        %sub3A_358 = arith.subf %add3A_349, %mul3A_357 : vector<16xf32>
        %iota3A_359 = tpu.iota {dimensions = array<i32: 0>} : vector<16xi32>
        %mul3A_360 = arith.constant 16 : i32
        %mul3A_361 = arith.muli %add3A_332, %mul3A_360 : i32
        %add3A_362 = vector.broadcast %mul3A_361 : i32 to vector<16xi32>
        %add3A_363 = arith.addi %iota3A_359, %add3A_362 : vector<16xi32>
        %mul3A_364 = arith.constant 8 : i32
        %mul3A_365 = arith.muli %while3A_186, %mul3A_364 : i32
        %add3A_366 = arith.constant 5 : i32
        %add3A_367 = arith.addi %mul3A_365, %add3A_366 : i32
        %mul3A_368 = arith.constant 16 : i32
        %mul3A_369 = arith.muli %add3A_367, %mul3A_368 : i32
        %get3A_370 = arith.index_cast %mul3A_369 : i32 to index
        %get3A_371 = tpu.vector_load %arg13[%get3A_370] {strides = array<i32>} : memref<24576xf32, #tpu.memory_space<vmem>>, vector<16xf32>,
        %mul3A_372 = arith.constant 16 : i32
        %mul3A_373 = arith.muli %add3A_367, %mul3A_372 : i32
        %get3A_374 = arith.index_cast %mul3A_373 : i32 to index
        %get3A_375 = tpu.vector_load %arg14[%get3A_374] {strides = array<i32>} : memref<24576xf32, #tpu.memory_space<vmem>>, vector<16xf32>,
        %mul3A_376 = arith.constant 16 : i32
        %mul3A_377 = arith.muli %add3A_367, %mul3A_376 : i32
        %get3A_378 = arith.index_cast %mul3A_377 : i32 to index
        %get3A_379 = tpu.vector_load %arg15[%get3A_378] {strides = array<i32>} : memref<24576xf32, #tpu.memory_space<vmem>>, vector<16xf32>,
        %mul3A_380 = arith.constant 16 : i32
        %mul3A_381 = arith.muli %add3A_367, %mul3A_380 : i32
        %get3A_382 = arith.index_cast %mul3A_381 : i32 to index
        %get3A_383 = tpu.vector_load %arg16[%get3A_382] {strides = array<i32>} : memref<24576xf32, #tpu.memory_space<vmem>>, vector<16xf32>,
        %add3A_384 = arith.addf %gather3A_79, %get3A_383 : vector<16xf32>
        %mul3A_385 = arith.mulf %gather3A, %get3A_371 : vector<16xf32>
        %mul3A_386 = arith.mulf %gather3A_77, %get3A_375 : vector<16xf32>
        %add3A_387 = arith.addf %mul3A_385, %mul3A_386 : vector<16xf32>
        %mul3A_388 = arith.mulf %gather3A_78, %get3A_379 : vector<16xf32>
        %add3A_389 = arith.addf %add3A_387, %mul3A_388 : vector<16xf32>
        %mul3A_390 = arith.constant 2.000000e+00 : f32
        %mul3A_391 = vector.broadcast %mul3A_390 : f32 to vector<16xf32>
        %mul3A_392 = arith.mulf %mul3A_391, %add3A_389 : vector<16xf32>
        %sub3A_393 = arith.subf %add3A_384, %mul3A_392 : vector<16xf32>
        %iota3A_394 = tpu.iota {dimensions = array<i32: 0>} : vector<16xi32>
        %mul3A_395 = arith.constant 16 : i32
        %mul3A_396 = arith.muli %add3A_367, %mul3A_395 : i32
        %add3A_397 = vector.broadcast %mul3A_396 : i32 to vector<16xi32>
        %add3A_398 = arith.addi %iota3A_394, %add3A_397 : vector<16xi32>
        %mul3A_399 = arith.constant 8 : i32
        %mul3A_400 = arith.muli %while3A_186, %mul3A_399 : i32
        %add3A_401 = arith.constant 6 : i32
        %add3A_402 = arith.addi %mul3A_400, %add3A_401 : i32
        %mul3A_403 = arith.constant 16 : i32
        %mul3A_404 = arith.muli %add3A_402, %mul3A_403 : i32
        %get3A_405 = arith.index_cast %mul3A_404 : i32 to index
        %get3A_406 = tpu.vector_load %arg13[%get3A_405] {strides = array<i32>} : memref<24576xf32, #tpu.memory_space<vmem>>, vector<16xf32>,
        %mul3A_407 = arith.constant 16 : i32
        %mul3A_408 = arith.muli %add3A_402, %mul3A_407 : i32
        %get3A_409 = arith.index_cast %mul3A_408 : i32 to index
        %get3A_410 = tpu.vector_load %arg14[%get3A_409] {strides = array<i32>} : memref<24576xf32, #tpu.memory_space<vmem>>, vector<16xf32>,
        %mul3A_411 = arith.constant 16 : i32
        %mul3A_412 = arith.muli %add3A_402, %mul3A_411 : i32
        %get3A_413 = arith.index_cast %mul3A_412 : i32 to index
        %get3A_414 = tpu.vector_load %arg15[%get3A_413] {strides = array<i32>} : memref<24576xf32, #tpu.memory_space<vmem>>, vector<16xf32>,
        %mul3A_415 = arith.constant 16 : i32
        %mul3A_416 = arith.muli %add3A_402, %mul3A_415 : i32
        %get3A_417 = arith.index_cast %mul3A_416 : i32 to index
        %get3A_418 = tpu.vector_load %arg16[%get3A_417] {strides = array<i32>} : memref<24576xf32, #tpu.memory_space<vmem>>, vector<16xf32>,
        %add3A_419 = arith.addf %gather3A_79, %get3A_418 : vector<16xf32>
        %mul3A_420 = arith.mulf %gather3A, %get3A_406 : vector<16xf32>
        %mul3A_421 = arith.mulf %gather3A_77, %get3A_410 : vector<16xf32>
        %add3A_422 = arith.addf %mul3A_420, %mul3A_421 : vector<16xf32>
        %mul3A_423 = arith.mulf %gather3A_78, %get3A_414 : vector<16xf32>
        %add3A_424 = arith.addf %add3A_422, %mul3A_423 : vector<16xf32>
        %mul3A_425 = arith.constant 2.000000e+00 : f32
        %mul3A_426 = vector.broadcast %mul3A_425 : f32 to vector<16xf32>
        %mul3A_427 = arith.mulf %mul3A_426, %add3A_424 : vector<16xf32>
        %sub3A_428 = arith.subf %add3A_419, %mul3A_427 : vector<16xf32>
        %iota3A_429 = tpu.iota {dimensions = array<i32: 0>} : vector<16xi32>
        %mul3A_430 = arith.constant 16 : i32
        %mul3A_431 = arith.muli %add3A_402, %mul3A_430 : i32
        %add3A_432 = vector.broadcast %mul3A_431 : i32 to vector<16xi32>
        %add3A_433 = arith.addi %iota3A_429, %add3A_432 : vector<16xi32>
        %mul3A_434 = arith.constant 8 : i32
        %mul3A_435 = arith.muli %while3A_186, %mul3A_434 : i32
        %add3A_436 = arith.constant 7 : i32
        %add3A_437 = arith.addi %mul3A_435, %add3A_436 : i32
        %mul3A_438 = arith.constant 16 : i32
        %mul3A_439 = arith.muli %add3A_437, %mul3A_438 : i32
        %get3A_440 = arith.index_cast %mul3A_439 : i32 to index
        %get3A_441 = tpu.vector_load %arg13[%get3A_440] {strides = array<i32>} : memref<24576xf32, #tpu.memory_space<vmem>>, vector<16xf32>,
        %mul3A_442 = arith.constant 16 : i32
        %mul3A_443 = arith.muli %add3A_437, %mul3A_442 : i32
        %get3A_444 = arith.index_cast %mul3A_443 : i32 to index
        %get3A_445 = tpu.vector_load %arg14[%get3A_444] {strides = array<i32>} : memref<24576xf32, #tpu.memory_space<vmem>>, vector<16xf32>,
        %mul3A_446 = arith.constant 16 : i32
        %mul3A_447 = arith.muli %add3A_437, %mul3A_446 : i32
        %get3A_448 = arith.index_cast %mul3A_447 : i32 to index
        %get3A_449 = tpu.vector_load %arg15[%get3A_448] {strides = array<i32>} : memref<24576xf32, #tpu.memory_space<vmem>>, vector<16xf32>,
        %mul3A_450 = arith.constant 16 : i32
        %mul3A_451 = arith.muli %add3A_437, %mul3A_450 : i32
        %get3A_452 = arith.index_cast %mul3A_451 : i32 to index
        %get3A_453 = tpu.vector_load %arg16[%get3A_452] {strides = array<i32>} : memref<24576xf32, #tpu.memory_space<vmem>>, vector<16xf32>,
        %add3A_454 = arith.addf %gather3A_79, %get3A_453 : vector<16xf32>
        %mul3A_455 = arith.mulf %gather3A, %get3A_441 : vector<16xf32>
        %mul3A_456 = arith.mulf %gather3A_77, %get3A_445 : vector<16xf32>
        %add3A_457 = arith.addf %mul3A_455, %mul3A_456 : vector<16xf32>
        %mul3A_458 = arith.mulf %gather3A_78, %get3A_449 : vector<16xf32>
        %add3A_459 = arith.addf %add3A_457, %mul3A_458 : vector<16xf32>
        %mul3A_460 = arith.constant 2.000000e+00 : f32
        %mul3A_461 = vector.broadcast %mul3A_460 : f32 to vector<16xf32>
        %mul3A_462 = arith.mulf %mul3A_461, %add3A_459 : vector<16xf32>
        %sub3A_463 = arith.subf %add3A_454, %mul3A_462 : vector<16xf32>
        %iota3A_464 = tpu.iota {dimensions = array<i32: 0>} : vector<16xi32>
        %mul3A_465 = arith.constant 16 : i32
        %mul3A_466 = arith.muli %add3A_437, %mul3A_465 : i32
        %add3A_467 = vector.broadcast %mul3A_466 : i32 to vector<16xi32>
        %add3A_468 = arith.addi %iota3A_464, %add3A_467 : vector<16xi32>
        %lt3A_469 = arith.constant 32 : i32
        %lt3A_470 = arith.cmpi slt, %while3A_187, %lt3A_469 : i32
        %broadcast_in_dim3A_471 = vector.broadcast %lt3A_470 : i1 to vector<16xi1>
        %lt3A_472 = arith.constant 64 : i32
        %lt3A_473 = arith.cmpi slt, %while3A_188, %lt3A_472 : i32
        %broadcast_in_dim3A_474 = vector.broadcast %lt3A_473 : i1 to vector<16xi1>
        %lt3A_475 = arith.constant 0.00999999977 : f32
        %lt3A_476 = vector.broadcast %lt3A_475 : f32 to vector<16xf32>
        %lt3A_477 = arith.cmpf olt, %sub3A_218, %lt3A_476 : vector<16xf32>
        %and3A = arith.andi %lt3A_477, %broadcast_in_dim3A_471 : vector<16xi1>
        %lt3A_478 = arith.constant 0.00999999977 : f32
        %lt3A_479 = vector.broadcast %lt3A_478 : f32 to vector<16xf32>
        %lt3A_480 = arith.cmpf olt, %sub3A_253, %lt3A_479 : vector<16xf32>
        %and3A_481 = arith.andi %lt3A_480, %broadcast_in_dim3A_471 : vector<16xi1>
        %lt3A_482 = arith.constant 0.00999999977 : f32
        %lt3A_483 = vector.broadcast %lt3A_482 : f32 to vector<16xf32>
        %lt3A_484 = arith.cmpf olt, %sub3A_288, %lt3A_483 : vector<16xf32>
        %and3A_485 = arith.andi %lt3A_484, %broadcast_in_dim3A_471 : vector<16xi1>
        %lt3A_486 = arith.constant 0.00999999977 : f32
        %lt3A_487 = vector.broadcast %lt3A_486 : f32 to vector<16xf32>
        %lt3A_488 = arith.cmpf olt, %sub3A_323, %lt3A_487 : vector<16xf32>
        %and3A_489 = arith.andi %lt3A_488, %broadcast_in_dim3A_471 : vector<16xi1>
        %lt3A_490 = arith.constant 0.00999999977 : f32
        %lt3A_491 = vector.broadcast %lt3A_490 : f32 to vector<16xf32>
        %lt3A_492 = arith.cmpf olt, %sub3A_358, %lt3A_491 : vector<16xf32>
        %and3A_493 = arith.andi %lt3A_492, %broadcast_in_dim3A_471 : vector<16xi1>
        %lt3A_494 = arith.constant 0.00999999977 : f32
        %lt3A_495 = vector.broadcast %lt3A_494 : f32 to vector<16xf32>
        %lt3A_496 = arith.cmpf olt, %sub3A_393, %lt3A_495 : vector<16xf32>
        %and3A_497 = arith.andi %lt3A_496, %broadcast_in_dim3A_471 : vector<16xi1>
        %lt3A_498 = arith.constant 0.00999999977 : f32
        %lt3A_499 = vector.broadcast %lt3A_498 : f32 to vector<16xf32>
        %lt3A_500 = arith.cmpf olt, %sub3A_428, %lt3A_499 : vector<16xf32>
        %and3A_501 = arith.andi %lt3A_500, %broadcast_in_dim3A_471 : vector<16xi1>
        %lt3A_502 = arith.constant 0.00999999977 : f32
        %lt3A_503 = vector.broadcast %lt3A_502 : f32 to vector<16xf32>
        %lt3A_504 = arith.cmpf olt, %sub3A_463, %lt3A_503 : vector<16xf32>
        %and3A_505 = arith.andi %lt3A_504, %broadcast_in_dim3A_471 : vector<16xi1>
        %lt3A_506 = arith.constant 4.000000e-02 : f32
        %lt3A_507 = vector.broadcast %lt3A_506 : f32 to vector<16xf32>
        %lt3A_508 = arith.cmpf olt, %sub3A_218, %lt3A_507 : vector<16xf32>
        %and3A_509 = arith.andi %lt3A_508, %broadcast_in_dim3A_474 : vector<16xi1>
        %lt3A_510 = arith.constant 4.000000e-02 : f32
        %lt3A_511 = vector.broadcast %lt3A_510 : f32 to vector<16xf32>
        %lt3A_512 = arith.cmpf olt, %sub3A_253, %lt3A_511 : vector<16xf32>
        %and3A_513 = arith.andi %lt3A_512, %broadcast_in_dim3A_474 : vector<16xi1>
        %lt3A_514 = arith.constant 4.000000e-02 : f32
        %lt3A_515 = vector.broadcast %lt3A_514 : f32 to vector<16xf32>
        %lt3A_516 = arith.cmpf olt, %sub3A_288, %lt3A_515 : vector<16xf32>
        %and3A_517 = arith.andi %lt3A_516, %broadcast_in_dim3A_474 : vector<16xi1>
        %lt3A_518 = arith.constant 4.000000e-02 : f32
        %lt3A_519 = vector.broadcast %lt3A_518 : f32 to vector<16xf32>
        %lt3A_520 = arith.cmpf olt, %sub3A_323, %lt3A_519 : vector<16xf32>
        %and3A_521 = arith.andi %lt3A_520, %broadcast_in_dim3A_474 : vector<16xi1>
        %lt3A_522 = arith.constant 4.000000e-02 : f32
        %lt3A_523 = vector.broadcast %lt3A_522 : f32 to vector<16xf32>
        %lt3A_524 = arith.cmpf olt, %sub3A_358, %lt3A_523 : vector<16xf32>
        %and3A_525 = arith.andi %lt3A_524, %broadcast_in_dim3A_474 : vector<16xi1>
        %lt3A_526 = arith.constant 4.000000e-02 : f32
        %lt3A_527 = vector.broadcast %lt3A_526 : f32 to vector<16xf32>
        %lt3A_528 = arith.cmpf olt, %sub3A_393, %lt3A_527 : vector<16xf32>
        %and3A_529 = arith.andi %lt3A_528, %broadcast_in_dim3A_474 : vector<16xi1>
        %lt3A_530 = arith.constant 4.000000e-02 : f32
        %lt3A_531 = vector.broadcast %lt3A_530 : f32 to vector<16xf32>
        %lt3A_532 = arith.cmpf olt, %sub3A_428, %lt3A_531 : vector<16xf32>
        %and3A_533 = arith.andi %lt3A_532, %broadcast_in_dim3A_474 : vector<16xi1>
        %lt3A_534 = arith.constant 4.000000e-02 : f32
        %lt3A_535 = vector.broadcast %lt3A_534 : f32 to vector<16xf32>
        %lt3A_536 = arith.cmpf olt, %sub3A_463, %lt3A_535 : vector<16xf32>
        %and3A_537 = arith.andi %lt3A_536, %broadcast_in_dim3A_474 : vector<16xi1>
        %or3A = arith.ori %and3A, %and3A_481 : vector<16xi1>
        %or3A_538 = arith.ori %and3A_485, %and3A_489 : vector<16xi1>
        %or3A_539 = arith.ori %or3A, %or3A_538 : vector<16xi1>
        %or3A_540 = arith.ori %and3A_493, %and3A_497 : vector<16xi1>
        %or3A_541 = arith.ori %and3A_501, %and3A_505 : vector<16xi1>
        %or3A_542 = arith.ori %or3A_540, %or3A_541 : vector<16xi1>
        %or3A_543 = arith.ori %or3A_539, %or3A_542 : vector<16xi1>
        %all_reduce_population_count3A = tpu.all_reduce %or3A_543 {dim = 0 : i64, kind = #tpu.reduction_kind<sum>} : vector<16xi1> -> vector<16xi32>
        %slice3A = vector.extract_strided_slice %all_reduce_population_count3A {offsets = [0], sizes = [1], strides = [1]} : vector<16xi32> to vector<1xi32>
        %squeeze3A = vector.extract %slice3A[0] : i32 from vector<1xi32>
        %gt3A_544 = arith.constant 0 : i32
        %gt3A_545 = arith.cmpi sgt, %squeeze3A, %gt3A_544 : i32
        %convert_element_type3A_546 = arith.extui %gt3A_545 : i1 to i32
        %cond3A_547 = arith.constant 0 : i32
        %cond3A_548 = arith.cmpi ne, %convert_element_type3A_546, %cond3A_547 : i32
        %cond3A_549 = scf.if %cond3A_548 -> (i32) {
          %swap3A_568 = arith.index_cast %while3A_187 : i32 to index
          %swap3A_569 = tpu.vector_load %arg25[%swap3A_568] masked %and3A {strides = array<i32>} : memref<176xi32, #tpu.memory_space<vmem>>, vector<16xi32>, vector<16xi1>
          tpu.vector_store %arg25[%swap3A_568], %add3A_223 masked %and3A {strides = array<i32>} : memref<176xi32, #tpu.memory_space<vmem>>, vector<16xi32>, vector<16xi1>
          %all_reduce_population_count3A_570 = tpu.all_reduce %and3A {dim = 0 : i64, kind = #tpu.reduction_kind<sum>} : vector<16xi1> -> vector<16xi32>
          %slice3A_571 = vector.extract_strided_slice %all_reduce_population_count3A_570 {offsets = [0], sizes = [1], strides = [1]} : vector<16xi32> to vector<1xi32>
          %squeeze3A_572 = vector.extract %slice3A_571[0] : i32 from vector<1xi32>
          %add3A_573 = arith.addi %while3A_187, %squeeze3A_572 : i32
          %swap3A_574 = arith.index_cast %add3A_573 : i32 to index
          %swap3A_575 = tpu.vector_load %arg25[%swap3A_574] masked %and3A_481 {strides = array<i32>} : memref<176xi32, #tpu.memory_space<vmem>>, vector<16xi32>, vector<16xi1>
          tpu.vector_store %arg25[%swap3A_574], %add3A_258 masked %and3A_481 {strides = array<i32>} : memref<176xi32, #tpu.memory_space<vmem>>, vector<16xi32>, vector<16xi1>
          %all_reduce_population_count3A_576 = tpu.all_reduce %and3A_481 {dim = 0 : i64, kind = #tpu.reduction_kind<sum>} : vector<16xi1> -> vector<16xi32>
          %slice3A_577 = vector.extract_strided_slice %all_reduce_population_count3A_576 {offsets = [0], sizes = [1], strides = [1]} : vector<16xi32> to vector<1xi32>
          %squeeze3A_578 = vector.extract %slice3A_577[0] : i32 from vector<1xi32>
          %add3A_579 = arith.addi %add3A_573, %squeeze3A_578 : i32
          %swap3A_580 = arith.index_cast %add3A_579 : i32 to index
          %swap3A_581 = tpu.vector_load %arg25[%swap3A_580] masked %and3A_485 {strides = array<i32>} : memref<176xi32, #tpu.memory_space<vmem>>, vector<16xi32>, vector<16xi1>
          tpu.vector_store %arg25[%swap3A_580], %add3A_293 masked %and3A_485 {strides = array<i32>} : memref<176xi32, #tpu.memory_space<vmem>>, vector<16xi32>, vector<16xi1>
          %all_reduce_population_count3A_582 = tpu.all_reduce %and3A_485 {dim = 0 : i64, kind = #tpu.reduction_kind<sum>} : vector<16xi1> -> vector<16xi32>
          %slice3A_583 = vector.extract_strided_slice %all_reduce_population_count3A_582 {offsets = [0], sizes = [1], strides = [1]} : vector<16xi32> to vector<1xi32>
          %squeeze3A_584 = vector.extract %slice3A_583[0] : i32 from vector<1xi32>
          %add3A_585 = arith.addi %add3A_579, %squeeze3A_584 : i32
          %swap3A_586 = arith.index_cast %add3A_585 : i32 to index
          %swap3A_587 = tpu.vector_load %arg25[%swap3A_586] masked %and3A_489 {strides = array<i32>} : memref<176xi32, #tpu.memory_space<vmem>>, vector<16xi32>, vector<16xi1>
          tpu.vector_store %arg25[%swap3A_586], %add3A_328 masked %and3A_489 {strides = array<i32>} : memref<176xi32, #tpu.memory_space<vmem>>, vector<16xi32>, vector<16xi1>
          %all_reduce_population_count3A_588 = tpu.all_reduce %and3A_489 {dim = 0 : i64, kind = #tpu.reduction_kind<sum>} : vector<16xi1> -> vector<16xi32>
          %slice3A_589 = vector.extract_strided_slice %all_reduce_population_count3A_588 {offsets = [0], sizes = [1], strides = [1]} : vector<16xi32> to vector<1xi32>
          %squeeze3A_590 = vector.extract %slice3A_589[0] : i32 from vector<1xi32>
          %add3A_591 = arith.addi %add3A_585, %squeeze3A_590 : i32
          %swap3A_592 = arith.index_cast %add3A_591 : i32 to index
          %swap3A_593 = tpu.vector_load %arg25[%swap3A_592] masked %and3A_493 {strides = array<i32>} : memref<176xi32, #tpu.memory_space<vmem>>, vector<16xi32>, vector<16xi1>
          tpu.vector_store %arg25[%swap3A_592], %add3A_363 masked %and3A_493 {strides = array<i32>} : memref<176xi32, #tpu.memory_space<vmem>>, vector<16xi32>, vector<16xi1>
          %all_reduce_population_count3A_594 = tpu.all_reduce %and3A_493 {dim = 0 : i64, kind = #tpu.reduction_kind<sum>} : vector<16xi1> -> vector<16xi32>
          %slice3A_595 = vector.extract_strided_slice %all_reduce_population_count3A_594 {offsets = [0], sizes = [1], strides = [1]} : vector<16xi32> to vector<1xi32>
          %squeeze3A_596 = vector.extract %slice3A_595[0] : i32 from vector<1xi32>
          %add3A_597 = arith.addi %add3A_591, %squeeze3A_596 : i32
          %swap3A_598 = arith.index_cast %add3A_597 : i32 to index
          %swap3A_599 = tpu.vector_load %arg25[%swap3A_598] masked %and3A_497 {strides = array<i32>} : memref<176xi32, #tpu.memory_space<vmem>>, vector<16xi32>, vector<16xi1>
          tpu.vector_store %arg25[%swap3A_598], %add3A_398 masked %and3A_497 {strides = array<i32>} : memref<176xi32, #tpu.memory_space<vmem>>, vector<16xi32>, vector<16xi1>
          %all_reduce_population_count3A_600 = tpu.all_reduce %and3A_497 {dim = 0 : i64, kind = #tpu.reduction_kind<sum>} : vector<16xi1> -> vector<16xi32>
          %slice3A_601 = vector.extract_strided_slice %all_reduce_population_count3A_600 {offsets = [0], sizes = [1], strides = [1]} : vector<16xi32> to vector<1xi32>
          %squeeze3A_602 = vector.extract %slice3A_601[0] : i32 from vector<1xi32>
          %add3A_603 = arith.addi %add3A_597, %squeeze3A_602 : i32
          %swap3A_604 = arith.index_cast %add3A_603 : i32 to index
          %swap3A_605 = tpu.vector_load %arg25[%swap3A_604] masked %and3A_501 {strides = array<i32>} : memref<176xi32, #tpu.memory_space<vmem>>, vector<16xi32>, vector<16xi1>
          tpu.vector_store %arg25[%swap3A_604], %add3A_433 masked %and3A_501 {strides = array<i32>} : memref<176xi32, #tpu.memory_space<vmem>>, vector<16xi32>, vector<16xi1>
          %all_reduce_population_count3A_606 = tpu.all_reduce %and3A_501 {dim = 0 : i64, kind = #tpu.reduction_kind<sum>} : vector<16xi1> -> vector<16xi32>
          %slice3A_607 = vector.extract_strided_slice %all_reduce_population_count3A_606 {offsets = [0], sizes = [1], strides = [1]} : vector<16xi32> to vector<1xi32>
          %squeeze3A_608 = vector.extract %slice3A_607[0] : i32 from vector<1xi32>
          %add3A_609 = arith.addi %add3A_603, %squeeze3A_608 : i32
          %swap3A_610 = arith.index_cast %add3A_609 : i32 to index
          %swap3A_611 = tpu.vector_load %arg25[%swap3A_610] masked %and3A_505 {strides = array<i32>} : memref<176xi32, #tpu.memory_space<vmem>>, vector<16xi32>, vector<16xi1>
          tpu.vector_store %arg25[%swap3A_610], %add3A_468 masked %and3A_505 {strides = array<i32>} : memref<176xi32, #tpu.memory_space<vmem>>, vector<16xi32>, vector<16xi1>
          %all_reduce_population_count3A_612 = tpu.all_reduce %and3A_505 {dim = 0 : i64, kind = #tpu.reduction_kind<sum>} : vector<16xi1> -> vector<16xi32>
          %slice3A_613 = vector.extract_strided_slice %all_reduce_population_count3A_612 {offsets = [0], sizes = [1], strides = [1]} : vector<16xi32> to vector<1xi32>
          %squeeze3A_614 = vector.extract %slice3A_613[0] : i32 from vector<1xi32>
          %add3A_615 = arith.addi %add3A_609, %squeeze3A_614 : i32
          scf.yield %add3A_615 : i32
        } else {
          scf.yield %while3A_187 : i32
        }
        %or3A_550 = arith.ori %and3A_509, %and3A_513 : vector<16xi1>
        %or3A_551 = arith.ori %and3A_517, %and3A_521 : vector<16xi1>
        %or3A_552 = arith.ori %or3A_550, %or3A_551 : vector<16xi1>
        %or3A_553 = arith.ori %and3A_525, %and3A_529 : vector<16xi1>
        %or3A_554 = arith.ori %and3A_533, %and3A_537 : vector<16xi1>
        %or3A_555 = arith.ori %or3A_553, %or3A_554 : vector<16xi1>
        %or3A_556 = arith.ori %or3A_552, %or3A_555 : vector<16xi1>
        %all_reduce_population_count3A_557 = tpu.all_reduce %or3A_556 {dim = 0 : i64, kind = #tpu.reduction_kind<sum>} : vector<16xi1> -> vector<16xi32>
        %slice3A_558 = vector.extract_strided_slice %all_reduce_population_count3A_557 {offsets = [0], sizes = [1], strides = [1]} : vector<16xi32> to vector<1xi32>
        %squeeze3A_559 = vector.extract %slice3A_558[0] : i32 from vector<1xi32>
        %gt3A_560 = arith.constant 0 : i32
        %gt3A_561 = arith.cmpi sgt, %squeeze3A_559, %gt3A_560 : i32
        %convert_element_type3A_562 = arith.extui %gt3A_561 : i1 to i32
        %cond3A_563 = arith.constant 0 : i32
        %cond3A_564 = arith.cmpi ne, %convert_element_type3A_562, %cond3A_563 : i32
        %cond3A_565 = scf.if %cond3A_564 -> (i32) {
          %swap3A_568 = arith.index_cast %while3A_188 : i32 to index
          %swap3A_569 = tpu.vector_load %arg26[%swap3A_568] masked %and3A_509 {strides = array<i32>} : memref<208xi32, #tpu.memory_space<vmem>>, vector<16xi32>, vector<16xi1>
          tpu.vector_store %arg26[%swap3A_568], %add3A_223 masked %and3A_509 {strides = array<i32>} : memref<208xi32, #tpu.memory_space<vmem>>, vector<16xi32>, vector<16xi1>
          %all_reduce_population_count3A_570 = tpu.all_reduce %and3A_509 {dim = 0 : i64, kind = #tpu.reduction_kind<sum>} : vector<16xi1> -> vector<16xi32>
          %slice3A_571 = vector.extract_strided_slice %all_reduce_population_count3A_570 {offsets = [0], sizes = [1], strides = [1]} : vector<16xi32> to vector<1xi32>
          %squeeze3A_572 = vector.extract %slice3A_571[0] : i32 from vector<1xi32>
          %add3A_573 = arith.addi %while3A_188, %squeeze3A_572 : i32
          %swap3A_574 = arith.index_cast %add3A_573 : i32 to index
          %swap3A_575 = tpu.vector_load %arg26[%swap3A_574] masked %and3A_513 {strides = array<i32>} : memref<208xi32, #tpu.memory_space<vmem>>, vector<16xi32>, vector<16xi1>
          tpu.vector_store %arg26[%swap3A_574], %add3A_258 masked %and3A_513 {strides = array<i32>} : memref<208xi32, #tpu.memory_space<vmem>>, vector<16xi32>, vector<16xi1>
          %all_reduce_population_count3A_576 = tpu.all_reduce %and3A_513 {dim = 0 : i64, kind = #tpu.reduction_kind<sum>} : vector<16xi1> -> vector<16xi32>
          %slice3A_577 = vector.extract_strided_slice %all_reduce_population_count3A_576 {offsets = [0], sizes = [1], strides = [1]} : vector<16xi32> to vector<1xi32>
          %squeeze3A_578 = vector.extract %slice3A_577[0] : i32 from vector<1xi32>
          %add3A_579 = arith.addi %add3A_573, %squeeze3A_578 : i32
          %swap3A_580 = arith.index_cast %add3A_579 : i32 to index
          %swap3A_581 = tpu.vector_load %arg26[%swap3A_580] masked %and3A_517 {strides = array<i32>} : memref<208xi32, #tpu.memory_space<vmem>>, vector<16xi32>, vector<16xi1>
          tpu.vector_store %arg26[%swap3A_580], %add3A_293 masked %and3A_517 {strides = array<i32>} : memref<208xi32, #tpu.memory_space<vmem>>, vector<16xi32>, vector<16xi1>
          %all_reduce_population_count3A_582 = tpu.all_reduce %and3A_517 {dim = 0 : i64, kind = #tpu.reduction_kind<sum>} : vector<16xi1> -> vector<16xi32>
          %slice3A_583 = vector.extract_strided_slice %all_reduce_population_count3A_582 {offsets = [0], sizes = [1], strides = [1]} : vector<16xi32> to vector<1xi32>
          %squeeze3A_584 = vector.extract %slice3A_583[0] : i32 from vector<1xi32>
          %add3A_585 = arith.addi %add3A_579, %squeeze3A_584 : i32
          %swap3A_586 = arith.index_cast %add3A_585 : i32 to index
          %swap3A_587 = tpu.vector_load %arg26[%swap3A_586] masked %and3A_521 {strides = array<i32>} : memref<208xi32, #tpu.memory_space<vmem>>, vector<16xi32>, vector<16xi1>
          tpu.vector_store %arg26[%swap3A_586], %add3A_328 masked %and3A_521 {strides = array<i32>} : memref<208xi32, #tpu.memory_space<vmem>>, vector<16xi32>, vector<16xi1>
          %all_reduce_population_count3A_588 = tpu.all_reduce %and3A_521 {dim = 0 : i64, kind = #tpu.reduction_kind<sum>} : vector<16xi1> -> vector<16xi32>
          %slice3A_589 = vector.extract_strided_slice %all_reduce_population_count3A_588 {offsets = [0], sizes = [1], strides = [1]} : vector<16xi32> to vector<1xi32>
          %squeeze3A_590 = vector.extract %slice3A_589[0] : i32 from vector<1xi32>
          %add3A_591 = arith.addi %add3A_585, %squeeze3A_590 : i32
          %swap3A_592 = arith.index_cast %add3A_591 : i32 to index
          %swap3A_593 = tpu.vector_load %arg26[%swap3A_592] masked %and3A_525 {strides = array<i32>} : memref<208xi32, #tpu.memory_space<vmem>>, vector<16xi32>, vector<16xi1>
          tpu.vector_store %arg26[%swap3A_592], %add3A_363 masked %and3A_525 {strides = array<i32>} : memref<208xi32, #tpu.memory_space<vmem>>, vector<16xi32>, vector<16xi1>
          %all_reduce_population_count3A_594 = tpu.all_reduce %and3A_525 {dim = 0 : i64, kind = #tpu.reduction_kind<sum>} : vector<16xi1> -> vector<16xi32>
          %slice3A_595 = vector.extract_strided_slice %all_reduce_population_count3A_594 {offsets = [0], sizes = [1], strides = [1]} : vector<16xi32> to vector<1xi32>
          %squeeze3A_596 = vector.extract %slice3A_595[0] : i32 from vector<1xi32>
          %add3A_597 = arith.addi %add3A_591, %squeeze3A_596 : i32
          %swap3A_598 = arith.index_cast %add3A_597 : i32 to index
          %swap3A_599 = tpu.vector_load %arg26[%swap3A_598] masked %and3A_529 {strides = array<i32>} : memref<208xi32, #tpu.memory_space<vmem>>, vector<16xi32>, vector<16xi1>
          tpu.vector_store %arg26[%swap3A_598], %add3A_398 masked %and3A_529 {strides = array<i32>} : memref<208xi32, #tpu.memory_space<vmem>>, vector<16xi32>, vector<16xi1>
          %all_reduce_population_count3A_600 = tpu.all_reduce %and3A_529 {dim = 0 : i64, kind = #tpu.reduction_kind<sum>} : vector<16xi1> -> vector<16xi32>
          %slice3A_601 = vector.extract_strided_slice %all_reduce_population_count3A_600 {offsets = [0], sizes = [1], strides = [1]} : vector<16xi32> to vector<1xi32>
          %squeeze3A_602 = vector.extract %slice3A_601[0] : i32 from vector<1xi32>
          %add3A_603 = arith.addi %add3A_597, %squeeze3A_602 : i32
          %swap3A_604 = arith.index_cast %add3A_603 : i32 to index
          %swap3A_605 = tpu.vector_load %arg26[%swap3A_604] masked %and3A_533 {strides = array<i32>} : memref<208xi32, #tpu.memory_space<vmem>>, vector<16xi32>, vector<16xi1>
          tpu.vector_store %arg26[%swap3A_604], %add3A_433 masked %and3A_533 {strides = array<i32>} : memref<208xi32, #tpu.memory_space<vmem>>, vector<16xi32>, vector<16xi1>
          %all_reduce_population_count3A_606 = tpu.all_reduce %and3A_533 {dim = 0 : i64, kind = #tpu.reduction_kind<sum>} : vector<16xi1> -> vector<16xi32>
          %slice3A_607 = vector.extract_strided_slice %all_reduce_population_count3A_606 {offsets = [0], sizes = [1], strides = [1]} : vector<16xi32> to vector<1xi32>
          %squeeze3A_608 = vector.extract %slice3A_607[0] : i32 from vector<1xi32>
          %add3A_609 = arith.addi %add3A_603, %squeeze3A_608 : i32
          %swap3A_610 = arith.index_cast %add3A_609 : i32 to index
          %swap3A_611 = tpu.vector_load %arg26[%swap3A_610] masked %and3A_537 {strides = array<i32>} : memref<208xi32, #tpu.memory_space<vmem>>, vector<16xi32>, vector<16xi1>
          tpu.vector_store %arg26[%swap3A_610], %add3A_468 masked %and3A_537 {strides = array<i32>} : memref<208xi32, #tpu.memory_space<vmem>>, vector<16xi32>, vector<16xi1>
          %all_reduce_population_count3A_612 = tpu.all_reduce %and3A_537 {dim = 0 : i64, kind = #tpu.reduction_kind<sum>} : vector<16xi1> -> vector<16xi32>
          %slice3A_613 = vector.extract_strided_slice %all_reduce_population_count3A_612 {offsets = [0], sizes = [1], strides = [1]} : vector<16xi32> to vector<1xi32>
          %squeeze3A_614 = vector.extract %slice3A_613[0] : i32 from vector<1xi32>
          %add3A_615 = arith.addi %add3A_609, %squeeze3A_614 : i32
          scf.yield %add3A_615 : i32
        } else {
          scf.yield %while3A_188 : i32
        }
        %add3A_566 = arith.constant 1 : i32
        %add3A_567 = arith.addi %while3A_186, %add3A_566 : i32
        scf.yield %add3A_567, %cond3A_549, %cond3A_565 : i32, i32, i32
      }
      %while3A_83 = arith.constant 6 : i32
      %while3A_84:3 = scf.while (%while3A_186 = %while3A_83, %while3A_187 = %while3A_82#1, %while3A_188 = %while3A_82#2) : (i32, i32, i32) -> (i32, i32, i32) {
        %lt3A_189 = arith.constant 32 : i32
        %lt3A_190 = arith.cmpi slt, %while3A_187, %lt3A_189 : i32
        %lt3A_191 = arith.constant 64 : i32
        %lt3A_192 = arith.cmpi slt, %while3A_188, %lt3A_191 : i32
        %or3A = arith.ori %lt3A_190, %lt3A_192 : i1
        %lt3A_193 = arith.constant 16 : i32
        %lt3A_194 = arith.cmpi slt, %while3A_186, %lt3A_193 : i32
        %and3A = arith.andi %or3A, %lt3A_194 : i1
        scf.condition(%and3A) %while3A_186, %while3A_187, %while3A_188 : i32, i32, i32
      } do {
      ^bb0(%while3A_186: i32, %while3A_187: i32, %while3A_188: i32):
        %mul3A_189 = arith.constant 4096 : i32
        %mul3A_190 = arith.muli %while3A_186, %mul3A_189 : i32
        "tpu.region"() ({
          %run_scoped3A_195 = tpu.sem_alloc : memref<!tpu.dma_semaphore, #tpu.memory_space<semaphore_mem>>
          %dma_start3A_196 = tpu.memref_slice %arg2[%mul3A_190] : memref<65536xf32, #tpu.memory_space<hbm>> -> memref<4096xf32, #tpu.memory_space<hbm>>
          %dma_start3A_197 = tpu.memref_slice %arg2[%mul3A_190] : memref<65536xf32, #tpu.memory_space<hbm>> -> memref<4096xf32, #tpu.memory_space<hbm>>
          tpu.enqueue_dma source(%dma_start3A_197 : memref<4096xf32, #tpu.memory_space<hbm>>) target(%arg17 : memref<4096xf32, #tpu.memory_space<vmem>>) target_semaphore(%run_scoped3A_195 : memref<!tpu.dma_semaphore, #tpu.memory_space<semaphore_mem>>)
          %dma_wait3A_198 = tpu.memref_slice %arg2[%mul3A_190] : memref<65536xf32, #tpu.memory_space<hbm>> -> memref<4096xf32, #tpu.memory_space<hbm>>
          %dma_wait3A_199 = tpu.memref_slice %arg2[%mul3A_190] : memref<65536xf32, #tpu.memory_space<hbm>> -> memref<4096xf32, #tpu.memory_space<hbm>>
          tpu.wait_dma2 semaphore(%run_scoped3A_195 : memref<!tpu.dma_semaphore, #tpu.memory_space<semaphore_mem>>) src(%dma_wait3A_199 : memref<4096xf32, #tpu.memory_space<hbm>>) dst(%arg17 : memref<4096xf32, #tpu.memory_space<vmem>>)
          tpu.yield
        }) : () -> ()
        "tpu.region"() ({
          %run_scoped3A_195 = tpu.sem_alloc : memref<!tpu.dma_semaphore, #tpu.memory_space<semaphore_mem>>
          %dma_start3A_196 = tpu.memref_slice %arg3[%mul3A_190] : memref<65536xf32, #tpu.memory_space<hbm>> -> memref<4096xf32, #tpu.memory_space<hbm>>
          %dma_start3A_197 = tpu.memref_slice %arg3[%mul3A_190] : memref<65536xf32, #tpu.memory_space<hbm>> -> memref<4096xf32, #tpu.memory_space<hbm>>
          tpu.enqueue_dma source(%dma_start3A_197 : memref<4096xf32, #tpu.memory_space<hbm>>) target(%arg18 : memref<4096xf32, #tpu.memory_space<vmem>>) target_semaphore(%run_scoped3A_195 : memref<!tpu.dma_semaphore, #tpu.memory_space<semaphore_mem>>)
          %dma_wait3A_198 = tpu.memref_slice %arg3[%mul3A_190] : memref<65536xf32, #tpu.memory_space<hbm>> -> memref<4096xf32, #tpu.memory_space<hbm>>
          %dma_wait3A_199 = tpu.memref_slice %arg3[%mul3A_190] : memref<65536xf32, #tpu.memory_space<hbm>> -> memref<4096xf32, #tpu.memory_space<hbm>>
          tpu.wait_dma2 semaphore(%run_scoped3A_195 : memref<!tpu.dma_semaphore, #tpu.memory_space<semaphore_mem>>) src(%dma_wait3A_199 : memref<4096xf32, #tpu.memory_space<hbm>>) dst(%arg18 : memref<4096xf32, #tpu.memory_space<vmem>>)
          tpu.yield
        }) : () -> ()
        "tpu.region"() ({
          %run_scoped3A_195 = tpu.sem_alloc : memref<!tpu.dma_semaphore, #tpu.memory_space<semaphore_mem>>
          %dma_start3A_196 = tpu.memref_slice %arg4[%mul3A_190] : memref<65536xf32, #tpu.memory_space<hbm>> -> memref<4096xf32, #tpu.memory_space<hbm>>
          %dma_start3A_197 = tpu.memref_slice %arg4[%mul3A_190] : memref<65536xf32, #tpu.memory_space<hbm>> -> memref<4096xf32, #tpu.memory_space<hbm>>
          tpu.enqueue_dma source(%dma_start3A_197 : memref<4096xf32, #tpu.memory_space<hbm>>) target(%arg19 : memref<4096xf32, #tpu.memory_space<vmem>>) target_semaphore(%run_scoped3A_195 : memref<!tpu.dma_semaphore, #tpu.memory_space<semaphore_mem>>)
          %dma_wait3A_198 = tpu.memref_slice %arg4[%mul3A_190] : memref<65536xf32, #tpu.memory_space<hbm>> -> memref<4096xf32, #tpu.memory_space<hbm>>
          %dma_wait3A_199 = tpu.memref_slice %arg4[%mul3A_190] : memref<65536xf32, #tpu.memory_space<hbm>> -> memref<4096xf32, #tpu.memory_space<hbm>>
          tpu.wait_dma2 semaphore(%run_scoped3A_195 : memref<!tpu.dma_semaphore, #tpu.memory_space<semaphore_mem>>) src(%dma_wait3A_199 : memref<4096xf32, #tpu.memory_space<hbm>>) dst(%arg19 : memref<4096xf32, #tpu.memory_space<vmem>>)
          tpu.yield
        }) : () -> ()
        "tpu.region"() ({
          %run_scoped3A_195 = tpu.sem_alloc : memref<!tpu.dma_semaphore, #tpu.memory_space<semaphore_mem>>
          %dma_start3A_196 = tpu.memref_slice %arg5[%mul3A_190] : memref<65536xf32, #tpu.memory_space<hbm>> -> memref<4096xf32, #tpu.memory_space<hbm>>
          %dma_start3A_197 = tpu.memref_slice %arg5[%mul3A_190] : memref<65536xf32, #tpu.memory_space<hbm>> -> memref<4096xf32, #tpu.memory_space<hbm>>
          tpu.enqueue_dma source(%dma_start3A_197 : memref<4096xf32, #tpu.memory_space<hbm>>) target(%arg20 : memref<4096xf32, #tpu.memory_space<vmem>>) target_semaphore(%run_scoped3A_195 : memref<!tpu.dma_semaphore, #tpu.memory_space<semaphore_mem>>)
          %dma_wait3A_198 = tpu.memref_slice %arg5[%mul3A_190] : memref<65536xf32, #tpu.memory_space<hbm>> -> memref<4096xf32, #tpu.memory_space<hbm>>
          %dma_wait3A_199 = tpu.memref_slice %arg5[%mul3A_190] : memref<65536xf32, #tpu.memory_space<hbm>> -> memref<4096xf32, #tpu.memory_space<hbm>>
          tpu.wait_dma2 semaphore(%run_scoped3A_195 : memref<!tpu.dma_semaphore, #tpu.memory_space<semaphore_mem>>) src(%dma_wait3A_199 : memref<4096xf32, #tpu.memory_space<hbm>>) dst(%arg20 : memref<4096xf32, #tpu.memory_space<vmem>>)
          tpu.yield
        }) : () -> ()
        %while3A_191 = arith.constant 0 : i32
        %while3A_192:3 = scf.while (%while3A_195 = %while3A_191, %while3A_196 = %while3A_187, %while3A_197 = %while3A_188) : (i32, i32, i32) -> (i32, i32, i32) {
          %lt3A_198 = arith.constant 32 : i32
          %lt3A_199 = arith.cmpi slt, %while3A_196, %lt3A_198 : i32
          %lt3A_200 = arith.constant 64 : i32
          %lt3A_201 = arith.cmpi slt, %while3A_197, %lt3A_200 : i32
          %or3A = arith.ori %lt3A_199, %lt3A_201 : i1
          %lt3A_202 = arith.constant 256 : i32
          %lt3A_203 = arith.cmpi slt, %while3A_195, %lt3A_202 : i32
          %and3A = arith.andi %or3A, %lt3A_203 : i1
          scf.condition(%and3A) %while3A_195, %while3A_196, %while3A_197 : i32, i32, i32
        } do {
        ^bb0(%while3A_195: i32, %while3A_196: i32, %while3A_197: i32):
          %mul3A_198 = arith.constant 16 : i32
          %mul3A_199 = arith.muli %while3A_195, %mul3A_198 : i32
          %get3A_200 = arith.index_cast %mul3A_199 : i32 to index
          %get3A_201 = tpu.vector_load %arg17[%get3A_200] {strides = array<i32>} : memref<4096xf32, #tpu.memory_space<vmem>>, vector<16xf32>,
          %mul3A_202 = arith.constant 16 : i32
          %mul3A_203 = arith.muli %while3A_195, %mul3A_202 : i32
          %get3A_204 = arith.index_cast %mul3A_203 : i32 to index
          %get3A_205 = tpu.vector_load %arg18[%get3A_204] {strides = array<i32>} : memref<4096xf32, #tpu.memory_space<vmem>>, vector<16xf32>,
          %mul3A_206 = arith.constant 16 : i32
          %mul3A_207 = arith.muli %while3A_195, %mul3A_206 : i32
          %get3A_208 = arith.index_cast %mul3A_207 : i32 to index
          %get3A_209 = tpu.vector_load %arg19[%get3A_208] {strides = array<i32>} : memref<4096xf32, #tpu.memory_space<vmem>>, vector<16xf32>,
          %mul3A_210 = arith.constant 16 : i32
          %mul3A_211 = arith.muli %while3A_195, %mul3A_210 : i32
          %get3A_212 = arith.index_cast %mul3A_211 : i32 to index
          %get3A_213 = tpu.vector_load %arg20[%get3A_212] {strides = array<i32>} : memref<4096xf32, #tpu.memory_space<vmem>>, vector<16xf32>,
          %add3A_214 = arith.addf %gather3A_79, %get3A_213 : vector<16xf32>
          %mul3A_215 = arith.mulf %gather3A, %get3A_201 : vector<16xf32>
          %mul3A_216 = arith.mulf %gather3A_77, %get3A_205 : vector<16xf32>
          %add3A_217 = arith.addf %mul3A_215, %mul3A_216 : vector<16xf32>
          %mul3A_218 = arith.mulf %gather3A_78, %get3A_209 : vector<16xf32>
          %add3A_219 = arith.addf %add3A_217, %mul3A_218 : vector<16xf32>
          %mul3A_220 = arith.constant 2.000000e+00 : f32
          %mul3A_221 = vector.broadcast %mul3A_220 : f32 to vector<16xf32>
          %mul3A_222 = arith.mulf %mul3A_221, %add3A_219 : vector<16xf32>
          %sub3A_223 = arith.subf %add3A_214, %mul3A_222 : vector<16xf32>
          %iota3A_224 = tpu.iota {dimensions = array<i32: 0>} : vector<16xi32>
          %mul3A_225 = arith.constant 16 : i32
          %mul3A_226 = arith.muli %while3A_195, %mul3A_225 : i32
          %add3A_227 = arith.addi %mul3A_190, %mul3A_226 : i32
          %add3A_228 = vector.broadcast %add3A_227 : i32 to vector<16xi32>
          %add3A_229 = arith.addi %iota3A_224, %add3A_228 : vector<16xi32>
          %lt3A_230 = arith.constant 0.00999999977 : f32
          %lt3A_231 = vector.broadcast %lt3A_230 : f32 to vector<16xf32>
          %lt3A_232 = arith.cmpf olt, %sub3A_223, %lt3A_231 : vector<16xf32>
          %lt3A_233 = arith.constant 32 : i32
          %lt3A_234 = arith.cmpi slt, %while3A_196, %lt3A_233 : i32
          %broadcast_in_dim3A_235 = vector.broadcast %lt3A_234 : i1 to vector<16xi1>
          %and3A = arith.andi %lt3A_232, %broadcast_in_dim3A_235 : vector<16xi1>
          %swap3A_236 = arith.index_cast %while3A_196 : i32 to index
          %swap3A_237 = tpu.vector_load %arg25[%swap3A_236] masked %and3A {strides = array<i32>} : memref<176xi32, #tpu.memory_space<vmem>>, vector<16xi32>, vector<16xi1>
          tpu.vector_store %arg25[%swap3A_236], %add3A_229 masked %and3A {strides = array<i32>} : memref<176xi32, #tpu.memory_space<vmem>>, vector<16xi32>, vector<16xi1>
          %all_reduce_population_count3A = tpu.all_reduce %and3A {dim = 0 : i64, kind = #tpu.reduction_kind<sum>} : vector<16xi1> -> vector<16xi32>
          %slice3A = vector.extract_strided_slice %all_reduce_population_count3A {offsets = [0], sizes = [1], strides = [1]} : vector<16xi32> to vector<1xi32>
          %squeeze3A = vector.extract %slice3A[0] : i32 from vector<1xi32>
          %add3A_238 = arith.addi %while3A_196, %squeeze3A : i32
          %lt3A_239 = arith.constant 4.000000e-02 : f32
          %lt3A_240 = vector.broadcast %lt3A_239 : f32 to vector<16xf32>
          %lt3A_241 = arith.cmpf olt, %sub3A_223, %lt3A_240 : vector<16xf32>
          %lt3A_242 = arith.constant 64 : i32
          %lt3A_243 = arith.cmpi slt, %while3A_197, %lt3A_242 : i32
          %broadcast_in_dim3A_244 = vector.broadcast %lt3A_243 : i1 to vector<16xi1>
          %and3A_245 = arith.andi %lt3A_241, %broadcast_in_dim3A_244 : vector<16xi1>
          %swap3A_246 = arith.index_cast %while3A_197 : i32 to index
          %swap3A_247 = tpu.vector_load %arg26[%swap3A_246] masked %and3A_245 {strides = array<i32>} : memref<208xi32, #tpu.memory_space<vmem>>, vector<16xi32>, vector<16xi1>
          tpu.vector_store %arg26[%swap3A_246], %add3A_229 masked %and3A_245 {strides = array<i32>} : memref<208xi32, #tpu.memory_space<vmem>>, vector<16xi32>, vector<16xi1>
          %all_reduce_population_count3A_248 = tpu.all_reduce %and3A_245 {dim = 0 : i64, kind = #tpu.reduction_kind<sum>} : vector<16xi1> -> vector<16xi32>
          %slice3A_249 = vector.extract_strided_slice %all_reduce_population_count3A_248 {offsets = [0], sizes = [1], strides = [1]} : vector<16xi32> to vector<1xi32>
          %squeeze3A_250 = vector.extract %slice3A_249[0] : i32 from vector<1xi32>
          %add3A_251 = arith.addi %while3A_197, %squeeze3A_250 : i32
          %add3A_252 = arith.constant 1 : i32
          %add3A_253 = arith.addi %while3A_195, %add3A_252 : i32
          scf.yield %add3A_253, %add3A_238, %add3A_251 : i32, i32, i32
        }
        %add3A_193 = arith.constant 1 : i32
        %add3A_194 = arith.addi %while3A_186, %add3A_193 : i32
        scf.yield %add3A_194, %while3A_192#1, %while3A_192#2 : i32, i32, i32
      }
      %rem3A = arith.constant 2 : i32
      %rem3A_85 = arith.remsi %scan3A_75, %rem3A : i32
      %broadcast_in_dim3A_86 = arith.constant 0 : i32
      %broadcast_in_dim3A_87 = vector.broadcast %broadcast_in_dim3A_86 : i32 to vector<16xi32>
      %iota3A = tpu.iota {dimensions = array<i32: 0>} : vector<16xi32>
      %min3A = arith.constant 32 : i32
      %min3A_88 = arith.minsi %while3A_84#1, %min3A : i32
      %gather3A_89 = tpu.vector_load_idx %arg25[%broadcast_in_dim3A_87] : memref<176xi32, #tpu.memory_space<vmem>>[vector<16xi32>], vector<16xi32>,
      %get3A = arith.constant 0 : index
      %get3A_90 = tpu.vector_load %arg25[%get3A] {strides = array<i32>} : memref<176xi32, #tpu.memory_space<vmem>>, vector<16xi32>,
      %add3A_91 = arith.constant 0 : i32
      %add3A_92 = vector.broadcast %add3A_91 : i32 to vector<16xi32>
      %add3A_93 = arith.addi %iota3A, %add3A_92 : vector<16xi32>
      %broadcast_in_dim3A_94 = vector.broadcast %min3A_88 : i32 to vector<16xi32>
      %lt3A = arith.cmpi slt, %add3A_93, %broadcast_in_dim3A_94 : vector<16xi32>
      %select_n3A = arith.select %lt3A, %get3A_90, %gather3A_89 : vector<16xi1>, vector<16xi32>
      %swap3A = arith.index_cast %rem3A_85 : i32 to index
      %swap3A_95 = arith.constant 0 : index
      %swap3A_96 = tpu.vector_load %arg27[%swap3A, %swap3A_95] {strides = array<i32>} : memref<2x32xi32, #tpu.memory_space<vmem>>, vector<16xi32>,
      tpu.vector_store %arg27[%swap3A, %swap3A_95], %select_n3A {strides = array<i32>} : memref<2x32xi32, #tpu.memory_space<vmem>>, vector<16xi32>,
      %get3A_97 = arith.constant 16 : index
      %get3A_98 = tpu.vector_load %arg25[%get3A_97] {strides = array<i32>} : memref<176xi32, #tpu.memory_space<vmem>>, vector<16xi32>,
      %add3A_99 = arith.constant 16 : i32
      %add3A_100 = vector.broadcast %add3A_99 : i32 to vector<16xi32>
      %add3A_101 = arith.addi %iota3A, %add3A_100 : vector<16xi32>
      %broadcast_in_dim3A_102 = vector.broadcast %min3A_88 : i32 to vector<16xi32>
      %lt3A_103 = arith.cmpi slt, %add3A_101, %broadcast_in_dim3A_102 : vector<16xi32>
      %select_n3A_104 = arith.select %lt3A_103, %get3A_98, %gather3A_89 : vector<16xi1>, vector<16xi32>
      %swap3A_105 = arith.index_cast %rem3A_85 : i32 to index
      %swap3A_106 = arith.constant 16 : index
      %swap3A_107 = tpu.vector_load %arg27[%swap3A_105, %swap3A_106] {strides = array<i32>} : memref<2x32xi32, #tpu.memory_space<vmem>>, vector<16xi32>,
      tpu.vector_store %arg27[%swap3A_105, %swap3A_106], %select_n3A_104 {strides = array<i32>} : memref<2x32xi32, #tpu.memory_space<vmem>>, vector<16xi32>,
      %min3A_108 = arith.constant 64 : i32
      %min3A_109 = arith.minsi %while3A_84#2, %min3A_108 : i32
      %gather3A_110 = tpu.vector_load_idx %arg26[%broadcast_in_dim3A_87] : memref<208xi32, #tpu.memory_space<vmem>>[vector<16xi32>], vector<16xi32>,
      %get3A_111 = arith.constant 0 : index
      %get3A_112 = tpu.vector_load %arg26[%get3A_111] {strides = array<i32>} : memref<208xi32, #tpu.memory_space<vmem>>, vector<16xi32>,
      %add3A_113 = arith.constant 0 : i32
      %add3A_114 = vector.broadcast %add3A_113 : i32 to vector<16xi32>
      %add3A_115 = arith.addi %iota3A, %add3A_114 : vector<16xi32>
      %broadcast_in_dim3A_116 = vector.broadcast %min3A_109 : i32 to vector<16xi32>
      %lt3A_117 = arith.cmpi slt, %add3A_115, %broadcast_in_dim3A_116 : vector<16xi32>
      %select_n3A_118 = arith.select %lt3A_117, %get3A_112, %gather3A_110 : vector<16xi1>, vector<16xi32>
      %swap3A_119 = arith.index_cast %rem3A_85 : i32 to index
      %swap3A_120 = arith.constant 0 : index
      %swap3A_121 = tpu.vector_load %arg28[%swap3A_119, %swap3A_120] {strides = array<i32>} : memref<2x64xi32, #tpu.memory_space<vmem>>, vector<16xi32>,
      tpu.vector_store %arg28[%swap3A_119, %swap3A_120], %select_n3A_118 {strides = array<i32>} : memref<2x64xi32, #tpu.memory_space<vmem>>, vector<16xi32>,
      %get3A_122 = arith.constant 16 : index
      %get3A_123 = tpu.vector_load %arg26[%get3A_122] {strides = array<i32>} : memref<208xi32, #tpu.memory_space<vmem>>, vector<16xi32>,
      %add3A_124 = arith.constant 16 : i32
      %add3A_125 = vector.broadcast %add3A_124 : i32 to vector<16xi32>
      %add3A_126 = arith.addi %iota3A, %add3A_125 : vector<16xi32>
      %broadcast_in_dim3A_127 = vector.broadcast %min3A_109 : i32 to vector<16xi32>
      %lt3A_128 = arith.cmpi slt, %add3A_126, %broadcast_in_dim3A_127 : vector<16xi32>
      %select_n3A_129 = arith.select %lt3A_128, %get3A_123, %gather3A_110 : vector<16xi1>, vector<16xi32>
      %swap3A_130 = arith.index_cast %rem3A_85 : i32 to index
      %swap3A_131 = arith.constant 16 : index
      %swap3A_132 = tpu.vector_load %arg28[%swap3A_130, %swap3A_131] {strides = array<i32>} : memref<2x64xi32, #tpu.memory_space<vmem>>, vector<16xi32>,
      tpu.vector_store %arg28[%swap3A_130, %swap3A_131], %select_n3A_129 {strides = array<i32>} : memref<2x64xi32, #tpu.memory_space<vmem>>, vector<16xi32>,
      %get3A_133 = arith.constant 32 : index
      %get3A_134 = tpu.vector_load %arg26[%get3A_133] {strides = array<i32>} : memref<208xi32, #tpu.memory_space<vmem>>, vector<16xi32>,
      %add3A_135 = arith.constant 32 : i32
      %add3A_136 = vector.broadcast %add3A_135 : i32 to vector<16xi32>
      %add3A_137 = arith.addi %iota3A, %add3A_136 : vector<16xi32>
      %broadcast_in_dim3A_138 = vector.broadcast %min3A_109 : i32 to vector<16xi32>
      %lt3A_139 = arith.cmpi slt, %add3A_137, %broadcast_in_dim3A_138 : vector<16xi32>
      %select_n3A_140 = arith.select %lt3A_139, %get3A_134, %gather3A_110 : vector<16xi1>, vector<16xi32>
      %swap3A_141 = arith.index_cast %rem3A_85 : i32 to index
      %swap3A_142 = arith.constant 32 : index
      %swap3A_143 = tpu.vector_load %arg28[%swap3A_141, %swap3A_142] {strides = array<i32>} : memref<2x64xi32, #tpu.memory_space<vmem>>, vector<16xi32>,
      tpu.vector_store %arg28[%swap3A_141, %swap3A_142], %select_n3A_140 {strides = array<i32>} : memref<2x64xi32, #tpu.memory_space<vmem>>, vector<16xi32>,
      %get3A_144 = arith.constant 48 : index
      %get3A_145 = tpu.vector_load %arg26[%get3A_144] {strides = array<i32>} : memref<208xi32, #tpu.memory_space<vmem>>, vector<16xi32>,
      %add3A_146 = arith.constant 48 : i32
      %add3A_147 = vector.broadcast %add3A_146 : i32 to vector<16xi32>
      %add3A_148 = arith.addi %iota3A, %add3A_147 : vector<16xi32>
      %broadcast_in_dim3A_149 = vector.broadcast %min3A_109 : i32 to vector<16xi32>
      %lt3A_150 = arith.cmpi slt, %add3A_148, %broadcast_in_dim3A_149 : vector<16xi32>
      %select_n3A_151 = arith.select %lt3A_150, %get3A_145, %gather3A_110 : vector<16xi1>, vector<16xi32>
      %swap3A_152 = arith.index_cast %rem3A_85 : i32 to index
      %swap3A_153 = arith.constant 48 : index
      %swap3A_154 = tpu.vector_load %arg28[%swap3A_152, %swap3A_153] {strides = array<i32>} : memref<2x64xi32, #tpu.memory_space<vmem>>, vector<16xi32>,
      tpu.vector_store %arg28[%swap3A_152, %swap3A_153], %select_n3A_151 {strides = array<i32>} : memref<2x64xi32, #tpu.memory_space<vmem>>, vector<16xi32>,
      %gt3A = arith.constant 0 : i32
      %gt3A_155 = arith.cmpi sgt, %scan3A_75, %gt3A : i32
      %convert_element_type3A = arith.extui %gt3A_155 : i1 to i32
      %cond3A = arith.constant 0 : i32
      %cond3A_156 = arith.cmpi ne, %convert_element_type3A, %cond3A : i32
      scf.if %cond3A_156 {
        %dma_wait3A_186 = arith.constant 0 : i32
        %dma_wait3A_187 = arith.constant 0 : i32
        %dma_wait3A_188 = arith.constant 0 : i32
        %dma_wait3A_189 = tpu.memref_slice %arg29[%dma_wait3A_186, %dma_wait3A_187, %dma_wait3A_188] : memref<2x32x16xf32, #tpu.memory_space<vmem>> -> memref<1x32x16xf32, #tpu.memory_space<vmem>>
        %dma_wait3A_190 = tpu.memref_squeeze %dma_wait3A_189 : memref<1x32x16xf32, #tpu.memory_space<vmem>> -> memref<32x16xf32, #tpu.memory_space<vmem>>
        %dma_wait3A_191 = arith.constant 0 : i32
        %dma_wait3A_192 = arith.constant 0 : i32
        %dma_wait3A_193 = tpu.memref_slice %arg6[%dma_wait3A_191, %dma_wait3A_192] : memref<65536x16xf32, #tpu.memory_space<hbm>> -> memref<32x16xf32, #tpu.memory_space<hbm>>
        %dma_wait3A_194 = arith.constant 0 : i32
        %dma_wait3A_195 = arith.constant 0 : i32
        %dma_wait3A_196 = tpu.memref_slice %arg29[%dma_wait3A_186, %dma_wait3A_194, %dma_wait3A_195] : memref<2x32x16xf32, #tpu.memory_space<vmem>> -> memref<1x32x16xf32, #tpu.memory_space<vmem>>
        %dma_wait3A_197 = tpu.memref_squeeze %dma_wait3A_196 : memref<1x32x16xf32, #tpu.memory_space<vmem>> -> memref<32x16xf32, #tpu.memory_space<vmem>>
        %dma_wait3A_198 = arith.constant 0 : i32
        %dma_wait3A_199 = arith.constant 0 : i32
        %dma_wait3A_200 = tpu.memref_slice %arg6[%dma_wait3A_198, %dma_wait3A_199] : memref<65536x16xf32, #tpu.memory_space<hbm>> -> memref<32x16xf32, #tpu.memory_space<hbm>>
        tpu.wait_dma2 semaphore(%arg31 : memref<!tpu.dma_semaphore, #tpu.memory_space<semaphore_mem>>) src(%dma_wait3A_200 : memref<32x16xf32, #tpu.memory_space<hbm>>) dst(%dma_wait3A_197 : memref<32x16xf32, #tpu.memory_space<vmem>>)
        %dma_wait3A_201 = arith.constant 0 : i32
        %dma_wait3A_202 = arith.constant 0 : i32
        %dma_wait3A_203 = arith.constant 0 : i32
        %dma_wait3A_204 = tpu.memref_slice %arg30[%dma_wait3A_201, %dma_wait3A_202, %dma_wait3A_203] : memref<2x64x16xf32, #tpu.memory_space<vmem>> -> memref<1x64x16xf32, #tpu.memory_space<vmem>>
        %dma_wait3A_205 = tpu.memref_squeeze %dma_wait3A_204 : memref<1x64x16xf32, #tpu.memory_space<vmem>> -> memref<64x16xf32, #tpu.memory_space<vmem>>
        %dma_wait3A_206 = arith.constant 0 : i32
        %dma_wait3A_207 = arith.constant 0 : i32
        %dma_wait3A_208 = tpu.memref_slice %arg6[%dma_wait3A_206, %dma_wait3A_207] : memref<65536x16xf32, #tpu.memory_space<hbm>> -> memref<64x16xf32, #tpu.memory_space<hbm>>
        %dma_wait3A_209 = arith.constant 0 : i32
        %dma_wait3A_210 = arith.constant 0 : i32
        %dma_wait3A_211 = tpu.memref_slice %arg30[%dma_wait3A_201, %dma_wait3A_209, %dma_wait3A_210] : memref<2x64x16xf32, #tpu.memory_space<vmem>> -> memref<1x64x16xf32, #tpu.memory_space<vmem>>
        %dma_wait3A_212 = tpu.memref_squeeze %dma_wait3A_211 : memref<1x64x16xf32, #tpu.memory_space<vmem>> -> memref<64x16xf32, #tpu.memory_space<vmem>>
        %dma_wait3A_213 = arith.constant 0 : i32
        %dma_wait3A_214 = arith.constant 0 : i32
        %dma_wait3A_215 = tpu.memref_slice %arg6[%dma_wait3A_213, %dma_wait3A_214] : memref<65536x16xf32, #tpu.memory_space<hbm>> -> memref<64x16xf32, #tpu.memory_space<hbm>>
        tpu.wait_dma2 semaphore(%arg31 : memref<!tpu.dma_semaphore, #tpu.memory_space<semaphore_mem>>) src(%dma_wait3A_215 : memref<64x16xf32, #tpu.memory_space<hbm>>) dst(%dma_wait3A_212 : memref<64x16xf32, #tpu.memory_space<vmem>>)
      } else {
      }
      %gt3A_157 = arith.constant 1 : i32
      %gt3A_158 = arith.cmpi sgt, %scan3A_75, %gt3A_157 : i32
      %convert_element_type3A_159 = arith.extui %gt3A_158 : i1 to i32
      %cond3A_160 = arith.constant 0 : i32
      %cond3A_161 = arith.cmpi ne, %convert_element_type3A_159, %cond3A_160 : i32
      scf.if %cond3A_161 {
        %dma_wait3A_186 = arith.constant 0 : i32
        %dma_wait3A_187 = arith.constant 0 : i32
        %dma_wait3A_188 = arith.constant 0 : i32
        %dma_wait3A_189 = tpu.memref_slice %arg29[%dma_wait3A_186, %dma_wait3A_187, %dma_wait3A_188] : memref<2x32x16xf32, #tpu.memory_space<vmem>> -> memref<1x32x16xf32, #tpu.memory_space<vmem>>
        %dma_wait3A_190 = tpu.memref_squeeze %dma_wait3A_189 : memref<1x32x16xf32, #tpu.memory_space<vmem>> -> memref<32x16xf32, #tpu.memory_space<vmem>>
        %dma_wait3A_191 = arith.constant 0 : i32
        %dma_wait3A_192 = arith.constant 0 : i32
        %dma_wait3A_193 = tpu.memref_slice %arg6[%dma_wait3A_191, %dma_wait3A_192] : memref<65536x16xf32, #tpu.memory_space<hbm>> -> memref<32x16xf32, #tpu.memory_space<hbm>>
        %dma_wait3A_194 = arith.constant 0 : i32
        %dma_wait3A_195 = arith.constant 0 : i32
        %dma_wait3A_196 = tpu.memref_slice %arg29[%dma_wait3A_186, %dma_wait3A_194, %dma_wait3A_195] : memref<2x32x16xf32, #tpu.memory_space<vmem>> -> memref<1x32x16xf32, #tpu.memory_space<vmem>>
        %dma_wait3A_197 = tpu.memref_squeeze %dma_wait3A_196 : memref<1x32x16xf32, #tpu.memory_space<vmem>> -> memref<32x16xf32, #tpu.memory_space<vmem>>
        %dma_wait3A_198 = arith.constant 0 : i32
        %dma_wait3A_199 = arith.constant 0 : i32
        %dma_wait3A_200 = tpu.memref_slice %arg6[%dma_wait3A_198, %dma_wait3A_199] : memref<65536x16xf32, #tpu.memory_space<hbm>> -> memref<32x16xf32, #tpu.memory_space<hbm>>
        tpu.wait_dma2 semaphore(%arg32 : memref<!tpu.dma_semaphore, #tpu.memory_space<semaphore_mem>>) src(%dma_wait3A_200 : memref<32x16xf32, #tpu.memory_space<hbm>>) dst(%dma_wait3A_197 : memref<32x16xf32, #tpu.memory_space<vmem>>)
        %dma_wait3A_201 = arith.constant 0 : i32
        %dma_wait3A_202 = arith.constant 0 : i32
        %dma_wait3A_203 = arith.constant 0 : i32
        %dma_wait3A_204 = tpu.memref_slice %arg30[%dma_wait3A_201, %dma_wait3A_202, %dma_wait3A_203] : memref<2x64x16xf32, #tpu.memory_space<vmem>> -> memref<1x64x16xf32, #tpu.memory_space<vmem>>
        %dma_wait3A_205 = tpu.memref_squeeze %dma_wait3A_204 : memref<1x64x16xf32, #tpu.memory_space<vmem>> -> memref<64x16xf32, #tpu.memory_space<vmem>>
        %dma_wait3A_206 = arith.constant 0 : i32
        %dma_wait3A_207 = arith.constant 0 : i32
        %dma_wait3A_208 = tpu.memref_slice %arg6[%dma_wait3A_206, %dma_wait3A_207] : memref<65536x16xf32, #tpu.memory_space<hbm>> -> memref<64x16xf32, #tpu.memory_space<hbm>>
        %dma_wait3A_209 = arith.constant 0 : i32
        %dma_wait3A_210 = arith.constant 0 : i32
        %dma_wait3A_211 = tpu.memref_slice %arg30[%dma_wait3A_201, %dma_wait3A_209, %dma_wait3A_210] : memref<2x64x16xf32, #tpu.memory_space<vmem>> -> memref<1x64x16xf32, #tpu.memory_space<vmem>>
        %dma_wait3A_212 = tpu.memref_squeeze %dma_wait3A_211 : memref<1x64x16xf32, #tpu.memory_space<vmem>> -> memref<64x16xf32, #tpu.memory_space<vmem>>
        %dma_wait3A_213 = arith.constant 0 : i32
        %dma_wait3A_214 = arith.constant 0 : i32
        %dma_wait3A_215 = tpu.memref_slice %arg6[%dma_wait3A_213, %dma_wait3A_214] : memref<65536x16xf32, #tpu.memory_space<hbm>> -> memref<64x16xf32, #tpu.memory_space<hbm>>
        tpu.wait_dma2 semaphore(%arg32 : memref<!tpu.dma_semaphore, #tpu.memory_space<semaphore_mem>>) src(%dma_wait3A_215 : memref<64x16xf32, #tpu.memory_space<hbm>>) dst(%dma_wait3A_212 : memref<64x16xf32, #tpu.memory_space<vmem>>)
      } else {
      }
      %gt3A_162 = arith.constant 0 : i32
      %gt3A_163 = arith.cmpi sgt, %scan3A_75, %gt3A_162 : i32
      %convert_element_type3A_164 = arith.extui %gt3A_163 : i1 to i32
      %cond3A_165 = arith.constant 0 : i32
      %cond3A_166 = arith.cmpi ne, %convert_element_type3A_164, %cond3A_165 : i32
      scf.if %cond3A_166 {
        %sub3A_186 = arith.constant 1 : i32
        %sub3A_187 = arith.subi %sub3A_186, %rem3A_85 : i32
        %sub3A_188 = arith.constant 1 : i32
        %sub3A_189 = arith.subi %add3A_76, %sub3A_188 : i32
        %mul3A_190 = arith.constant 32 : i32
        %mul3A_191 = arith.muli %sub3A_189, %mul3A_190 : i32
        %dma_start3A_192 = arith.constant 0 : i32
        %dma_start3A_193 = arith.constant 0 : i32
        %dma_start3A_194 = tpu.memref_slice %arg29[%sub3A_187, %dma_start3A_192, %dma_start3A_193] : memref<2x32x16xf32, #tpu.memory_space<vmem>> -> memref<1x32x16xf32, #tpu.memory_space<vmem>>
        %dma_start3A_195 = tpu.memref_squeeze %dma_start3A_194 : memref<1x32x16xf32, #tpu.memory_space<vmem>> -> memref<32x16xf32, #tpu.memory_space<vmem>>
        %dma_start3A_196 = arith.constant 0 : i32
        %dma_start3A_197 = tpu.memref_slice %arg11[%mul3A_191, %dma_start3A_196] : memref<32768x16xf32, #tpu.memory_space<hbm>> -> memref<32x16xf32, #tpu.memory_space<hbm>>
        %dma_start3A_198 = arith.constant 0 : i32
        %dma_start3A_199 = tpu.memref_slice %arg11[%mul3A_191, %dma_start3A_198] : memref<32768x16xf32, #tpu.memory_space<hbm>> -> memref<32x16xf32, #tpu.memory_space<hbm>>
        %dma_start3A_200 = arith.constant 0 : i32
        %dma_start3A_201 = arith.constant 0 : i32
        %dma_start3A_202 = tpu.memref_slice %arg29[%sub3A_187, %dma_start3A_200, %dma_start3A_201] : memref<2x32x16xf32, #tpu.memory_space<vmem>> -> memref<1x32x16xf32, #tpu.memory_space<vmem>>
        %dma_start3A_203 = tpu.memref_squeeze %dma_start3A_202 : memref<1x32x16xf32, #tpu.memory_space<vmem>> -> memref<32x16xf32, #tpu.memory_space<vmem>>
        tpu.enqueue_dma source(%dma_start3A_203 : memref<32x16xf32, #tpu.memory_space<vmem>>) target(%dma_start3A_199 : memref<32x16xf32, #tpu.memory_space<hbm>>) target_semaphore(%arg32 : memref<!tpu.dma_semaphore, #tpu.memory_space<semaphore_mem>>)
        %sub3A_204 = arith.constant 1 : i32
        %sub3A_205 = arith.subi %sub3A_204, %rem3A_85 : i32
        %sub3A_206 = arith.constant 1 : i32
        %sub3A_207 = arith.subi %add3A_76, %sub3A_206 : i32
        %mul3A_208 = arith.constant 64 : i32
        %mul3A_209 = arith.muli %sub3A_207, %mul3A_208 : i32
        %dma_start3A_210 = arith.constant 0 : i32
        %dma_start3A_211 = arith.constant 0 : i32
        %dma_start3A_212 = tpu.memref_slice %arg30[%sub3A_205, %dma_start3A_210, %dma_start3A_211] : memref<2x64x16xf32, #tpu.memory_space<vmem>> -> memref<1x64x16xf32, #tpu.memory_space<vmem>>
        %dma_start3A_213 = tpu.memref_squeeze %dma_start3A_212 : memref<1x64x16xf32, #tpu.memory_space<vmem>> -> memref<64x16xf32, #tpu.memory_space<vmem>>
        %dma_start3A_214 = arith.constant 0 : i32
        %dma_start3A_215 = tpu.memref_slice %arg12[%mul3A_209, %dma_start3A_214] : memref<65536x16xf32, #tpu.memory_space<hbm>> -> memref<64x16xf32, #tpu.memory_space<hbm>>
        %dma_start3A_216 = arith.constant 0 : i32
        %dma_start3A_217 = tpu.memref_slice %arg12[%mul3A_209, %dma_start3A_216] : memref<65536x16xf32, #tpu.memory_space<hbm>> -> memref<64x16xf32, #tpu.memory_space<hbm>>
        %dma_start3A_218 = arith.constant 0 : i32
        %dma_start3A_219 = arith.constant 0 : i32
        %dma_start3A_220 = tpu.memref_slice %arg30[%sub3A_205, %dma_start3A_218, %dma_start3A_219] : memref<2x64x16xf32, #tpu.memory_space<vmem>> -> memref<1x64x16xf32, #tpu.memory_space<vmem>>
        %dma_start3A_221 = tpu.memref_squeeze %dma_start3A_220 : memref<1x64x16xf32, #tpu.memory_space<vmem>> -> memref<64x16xf32, #tpu.memory_space<vmem>>
        tpu.enqueue_dma source(%dma_start3A_221 : memref<64x16xf32, #tpu.memory_space<vmem>>) target(%dma_start3A_217 : memref<64x16xf32, #tpu.memory_space<hbm>>) target_semaphore(%arg32 : memref<!tpu.dma_semaphore, #tpu.memory_space<semaphore_mem>>)
      } else {
      }
      %dma_start3A = arith.constant 0 : i32
      %dma_start3A_167 = arith.constant 0 : i32
      %dma_start3A_168 = tpu.memref_slice %arg29[%rem3A_85, %dma_start3A, %dma_start3A_167] : memref<2x32x16xf32, #tpu.memory_space<vmem>> -> memref<1x32x16xf32, #tpu.memory_space<vmem>>
      %dma_start3A_169 = tpu.memref_squeeze %dma_start3A_168 : memref<1x32x16xf32, #tpu.memory_space<vmem>> -> memref<32x16xf32, #tpu.memory_space<vmem>>
      %dma_start3A_170 = arith.constant 0 : i32
      %dma_start3A_171 = tpu.memref_slice %arg27[%rem3A_85, %dma_start3A_170] : memref<2x32xi32, #tpu.memory_space<vmem>> -> memref<1x32xi32, #tpu.memory_space<vmem>>
      %dma_start3A_172 = tpu.memref_squeeze %dma_start3A_171 : memref<1x32xi32, #tpu.memory_space<vmem>> -> memref<32xi32, #tpu.memory_space<vmem>>
      %dma_start3A_173 = arith.constant 0 : i32
      %dma_start3A_174 = arith.constant 0 : i32
      %dma_start3A_175 = tpu.memref_slice %arg6[%dma_start3A_173, %dma_start3A_174] : memref<65536x16xf32, #tpu.memory_space<hbm>> -> memref<65536x16xf32, #tpu.memory_space<hbm>>
      tpu.enqueue_indirect_dma source(%dma_start3A_175 : memref<65536x16xf32, #tpu.memory_space<hbm>>) target(%dma_start3A_169 : memref<32x16xf32, #tpu.memory_space<vmem>>) offsets(%dma_start3A_172 : memref<32xi32, #tpu.memory_space<vmem>>) semaphore(%arg31 : memref<!tpu.dma_semaphore, #tpu.memory_space<semaphore_mem>>)
      %dma_start3A_176 = arith.constant 0 : i32
      %dma_start3A_177 = arith.constant 0 : i32
      %dma_start3A_178 = tpu.memref_slice %arg30[%rem3A_85, %dma_start3A_176, %dma_start3A_177] : memref<2x64x16xf32, #tpu.memory_space<vmem>> -> memref<1x64x16xf32, #tpu.memory_space<vmem>>
      %dma_start3A_179 = tpu.memref_squeeze %dma_start3A_178 : memref<1x64x16xf32, #tpu.memory_space<vmem>> -> memref<64x16xf32, #tpu.memory_space<vmem>>
      %dma_start3A_180 = arith.constant 0 : i32
      %dma_start3A_181 = tpu.memref_slice %arg28[%rem3A_85, %dma_start3A_180] : memref<2x64xi32, #tpu.memory_space<vmem>> -> memref<1x64xi32, #tpu.memory_space<vmem>>
      %dma_start3A_182 = tpu.memref_squeeze %dma_start3A_181 : memref<1x64xi32, #tpu.memory_space<vmem>> -> memref<64xi32, #tpu.memory_space<vmem>>
      %dma_start3A_183 = arith.constant 0 : i32
      %dma_start3A_184 = arith.constant 0 : i32
      %dma_start3A_185 = tpu.memref_slice %arg6[%dma_start3A_183, %dma_start3A_184] : memref<65536x16xf32, #tpu.memory_space<hbm>> -> memref<65536x16xf32, #tpu.memory_space<hbm>>
      tpu.enqueue_indirect_dma source(%dma_start3A_185 : memref<65536x16xf32, #tpu.memory_space<hbm>>) target(%dma_start3A_179 : memref<64x16xf32, #tpu.memory_space<vmem>>) offsets(%dma_start3A_182 : memref<64xi32, #tpu.memory_space<vmem>>) semaphore(%arg31 : memref<!tpu.dma_semaphore, #tpu.memory_space<semaphore_mem>>)
    }
    %scan3A_7 = arith.constant 32 : i32
    %dma_wait3A = arith.constant 0 : i32
    %dma_wait3A_8 = arith.constant 0 : i32
    %dma_wait3A_9 = arith.constant 0 : i32
    %dma_wait3A_10 = tpu.memref_slice %arg29[%dma_wait3A, %dma_wait3A_8, %dma_wait3A_9] : memref<2x32x16xf32, #tpu.memory_space<vmem>> -> memref<1x32x16xf32, #tpu.memory_space<vmem>>
    %dma_wait3A_11 = tpu.memref_squeeze %dma_wait3A_10 : memref<1x32x16xf32, #tpu.memory_space<vmem>> -> memref<32x16xf32, #tpu.memory_space<vmem>>
    %dma_wait3A_12 = arith.constant 0 : i32
    %dma_wait3A_13 = arith.constant 0 : i32
    %dma_wait3A_14 = tpu.memref_slice %arg6[%dma_wait3A_12, %dma_wait3A_13] : memref<65536x16xf32, #tpu.memory_space<hbm>> -> memref<32x16xf32, #tpu.memory_space<hbm>>
    %dma_wait3A_15 = arith.constant 0 : i32
    %dma_wait3A_16 = arith.constant 0 : i32
    %dma_wait3A_17 = tpu.memref_slice %arg29[%dma_wait3A, %dma_wait3A_15, %dma_wait3A_16] : memref<2x32x16xf32, #tpu.memory_space<vmem>> -> memref<1x32x16xf32, #tpu.memory_space<vmem>>
    %dma_wait3A_18 = tpu.memref_squeeze %dma_wait3A_17 : memref<1x32x16xf32, #tpu.memory_space<vmem>> -> memref<32x16xf32, #tpu.memory_space<vmem>>
    %dma_wait3A_19 = arith.constant 0 : i32
    %dma_wait3A_20 = arith.constant 0 : i32
    %dma_wait3A_21 = tpu.memref_slice %arg6[%dma_wait3A_19, %dma_wait3A_20] : memref<65536x16xf32, #tpu.memory_space<hbm>> -> memref<32x16xf32, #tpu.memory_space<hbm>>
    tpu.wait_dma2 semaphore(%arg31 : memref<!tpu.dma_semaphore, #tpu.memory_space<semaphore_mem>>) src(%dma_wait3A_21 : memref<32x16xf32, #tpu.memory_space<hbm>>) dst(%dma_wait3A_18 : memref<32x16xf32, #tpu.memory_space<vmem>>)
    %dma_wait3A_22 = arith.constant 0 : i32
    %dma_wait3A_23 = arith.constant 0 : i32
    %dma_wait3A_24 = arith.constant 0 : i32
    %dma_wait3A_25 = tpu.memref_slice %arg30[%dma_wait3A_22, %dma_wait3A_23, %dma_wait3A_24] : memref<2x64x16xf32, #tpu.memory_space<vmem>> -> memref<1x64x16xf32, #tpu.memory_space<vmem>>
    %dma_wait3A_26 = tpu.memref_squeeze %dma_wait3A_25 : memref<1x64x16xf32, #tpu.memory_space<vmem>> -> memref<64x16xf32, #tpu.memory_space<vmem>>
    %dma_wait3A_27 = arith.constant 0 : i32
    %dma_wait3A_28 = arith.constant 0 : i32
    %dma_wait3A_29 = tpu.memref_slice %arg6[%dma_wait3A_27, %dma_wait3A_28] : memref<65536x16xf32, #tpu.memory_space<hbm>> -> memref<64x16xf32, #tpu.memory_space<hbm>>
    %dma_wait3A_30 = arith.constant 0 : i32
    %dma_wait3A_31 = arith.constant 0 : i32
    %dma_wait3A_32 = tpu.memref_slice %arg30[%dma_wait3A_22, %dma_wait3A_30, %dma_wait3A_31] : memref<2x64x16xf32, #tpu.memory_space<vmem>> -> memref<1x64x16xf32, #tpu.memory_space<vmem>>
    %dma_wait3A_33 = tpu.memref_squeeze %dma_wait3A_32 : memref<1x64x16xf32, #tpu.memory_space<vmem>> -> memref<64x16xf32, #tpu.memory_space<vmem>>
    %dma_wait3A_34 = arith.constant 0 : i32
    %dma_wait3A_35 = arith.constant 0 : i32
    %dma_wait3A_36 = tpu.memref_slice %arg6[%dma_wait3A_34, %dma_wait3A_35] : memref<65536x16xf32, #tpu.memory_space<hbm>> -> memref<64x16xf32, #tpu.memory_space<hbm>>
    tpu.wait_dma2 semaphore(%arg31 : memref<!tpu.dma_semaphore, #tpu.memory_space<semaphore_mem>>) src(%dma_wait3A_36 : memref<64x16xf32, #tpu.memory_space<hbm>>) dst(%dma_wait3A_33 : memref<64x16xf32, #tpu.memory_space<vmem>>)
    %dma_wait3A_37 = arith.constant 0 : i32
    %dma_wait3A_38 = arith.constant 0 : i32
    %dma_wait3A_39 = arith.constant 0 : i32
    %dma_wait3A_40 = tpu.memref_slice %arg29[%dma_wait3A_37, %dma_wait3A_38, %dma_wait3A_39] : memref<2x32x16xf32, #tpu.memory_space<vmem>> -> memref<1x32x16xf32, #tpu.memory_space<vmem>>
    %dma_wait3A_41 = tpu.memref_squeeze %dma_wait3A_40 : memref<1x32x16xf32, #tpu.memory_space<vmem>> -> memref<32x16xf32, #tpu.memory_space<vmem>>
    %dma_wait3A_42 = arith.constant 0 : i32
    %dma_wait3A_43 = arith.constant 0 : i32
    %dma_wait3A_44 = tpu.memref_slice %arg6[%dma_wait3A_42, %dma_wait3A_43] : memref<65536x16xf32, #tpu.memory_space<hbm>> -> memref<32x16xf32, #tpu.memory_space<hbm>>
    %dma_wait3A_45 = arith.constant 0 : i32
    %dma_wait3A_46 = arith.constant 0 : i32
    %dma_wait3A_47 = tpu.memref_slice %arg29[%dma_wait3A_37, %dma_wait3A_45, %dma_wait3A_46] : memref<2x32x16xf32, #tpu.memory_space<vmem>> -> memref<1x32x16xf32, #tpu.memory_space<vmem>>
    %dma_wait3A_48 = tpu.memref_squeeze %dma_wait3A_47 : memref<1x32x16xf32, #tpu.memory_space<vmem>> -> memref<32x16xf32, #tpu.memory_space<vmem>>
    %dma_wait3A_49 = arith.constant 0 : i32
    %dma_wait3A_50 = arith.constant 0 : i32
    %dma_wait3A_51 = tpu.memref_slice %arg6[%dma_wait3A_49, %dma_wait3A_50] : memref<65536x16xf32, #tpu.memory_space<hbm>> -> memref<32x16xf32, #tpu.memory_space<hbm>>
    tpu.wait_dma2 semaphore(%arg32 : memref<!tpu.dma_semaphore, #tpu.memory_space<semaphore_mem>>) src(%dma_wait3A_51 : memref<32x16xf32, #tpu.memory_space<hbm>>) dst(%dma_wait3A_48 : memref<32x16xf32, #tpu.memory_space<vmem>>)
    %dma_wait3A_52 = arith.constant 0 : i32
    %dma_wait3A_53 = arith.constant 0 : i32
    %dma_wait3A_54 = arith.constant 0 : i32
    %dma_wait3A_55 = tpu.memref_slice %arg30[%dma_wait3A_52, %dma_wait3A_53, %dma_wait3A_54] : memref<2x64x16xf32, #tpu.memory_space<vmem>> -> memref<1x64x16xf32, #tpu.memory_space<vmem>>
    %dma_wait3A_56 = tpu.memref_squeeze %dma_wait3A_55 : memref<1x64x16xf32, #tpu.memory_space<vmem>> -> memref<64x16xf32, #tpu.memory_space<vmem>>
    %dma_wait3A_57 = arith.constant 0 : i32
    %dma_wait3A_58 = arith.constant 0 : i32
    %dma_wait3A_59 = tpu.memref_slice %arg6[%dma_wait3A_57, %dma_wait3A_58] : memref<65536x16xf32, #tpu.memory_space<hbm>> -> memref<64x16xf32, #tpu.memory_space<hbm>>
    %dma_wait3A_60 = arith.constant 0 : i32
    %dma_wait3A_61 = arith.constant 0 : i32
    %dma_wait3A_62 = tpu.memref_slice %arg30[%dma_wait3A_52, %dma_wait3A_60, %dma_wait3A_61] : memref<2x64x16xf32, #tpu.memory_space<vmem>> -> memref<1x64x16xf32, #tpu.memory_space<vmem>>
    %dma_wait3A_63 = tpu.memref_squeeze %dma_wait3A_62 : memref<1x64x16xf32, #tpu.memory_space<vmem>> -> memref<64x16xf32, #tpu.memory_space<vmem>>
    %dma_wait3A_64 = arith.constant 0 : i32
    %dma_wait3A_65 = arith.constant 0 : i32
    %dma_wait3A_66 = tpu.memref_slice %arg6[%dma_wait3A_64, %dma_wait3A_65] : memref<65536x16xf32, #tpu.memory_space<hbm>> -> memref<64x16xf32, #tpu.memory_space<hbm>>
    tpu.wait_dma2 semaphore(%arg32 : memref<!tpu.dma_semaphore, #tpu.memory_space<semaphore_mem>>) src(%dma_wait3A_66 : memref<64x16xf32, #tpu.memory_space<hbm>>) dst(%dma_wait3A_63 : memref<64x16xf32, #tpu.memory_space<vmem>>)
    %add3A_67 = arith.constant 32 : i32
    %add3A_68 = arith.addi %mul3A_2, %add3A_67 : i32
    %sub3A = arith.constant 1 : i32
    %sub3A_69 = arith.subi %add3A_68, %sub3A : i32
    %mul3A_70 = arith.constant 32 : i32
    %mul3A_71 = arith.muli %sub3A_69, %mul3A_70 : i32
    %run_scoped3A = arith.constant 1 : i32
    "tpu.region"() ({
      %run_scoped3A_75 = tpu.sem_alloc : memref<!tpu.dma_semaphore, #tpu.memory_space<semaphore_mem>>
      %dma_start3A = arith.constant 0 : i32
      %dma_start3A_76 = arith.constant 0 : i32
      %dma_start3A_77 = tpu.memref_slice %arg29[%run_scoped3A, %dma_start3A, %dma_start3A_76] : memref<2x32x16xf32, #tpu.memory_space<vmem>> -> memref<1x32x16xf32, #tpu.memory_space<vmem>>
      %dma_start3A_78 = tpu.memref_squeeze %dma_start3A_77 : memref<1x32x16xf32, #tpu.memory_space<vmem>> -> memref<32x16xf32, #tpu.memory_space<vmem>>
      %dma_start3A_79 = arith.constant 0 : i32
      %dma_start3A_80 = tpu.memref_slice %arg11[%mul3A_71, %dma_start3A_79] : memref<32768x16xf32, #tpu.memory_space<hbm>> -> memref<32x16xf32, #tpu.memory_space<hbm>>
      %dma_start3A_81 = arith.constant 0 : i32
      %dma_start3A_82 = tpu.memref_slice %arg11[%mul3A_71, %dma_start3A_81] : memref<32768x16xf32, #tpu.memory_space<hbm>> -> memref<32x16xf32, #tpu.memory_space<hbm>>
      %dma_start3A_83 = arith.constant 0 : i32
      %dma_start3A_84 = arith.constant 0 : i32
      %dma_start3A_85 = tpu.memref_slice %arg29[%run_scoped3A, %dma_start3A_83, %dma_start3A_84] : memref<2x32x16xf32, #tpu.memory_space<vmem>> -> memref<1x32x16xf32, #tpu.memory_space<vmem>>
      %dma_start3A_86 = tpu.memref_squeeze %dma_start3A_85 : memref<1x32x16xf32, #tpu.memory_space<vmem>> -> memref<32x16xf32, #tpu.memory_space<vmem>>
      tpu.enqueue_dma source(%dma_start3A_86 : memref<32x16xf32, #tpu.memory_space<vmem>>) target(%dma_start3A_82 : memref<32x16xf32, #tpu.memory_space<hbm>>) target_semaphore(%run_scoped3A_75 : memref<!tpu.dma_semaphore, #tpu.memory_space<semaphore_mem>>)
      %dma_wait3A_87 = arith.constant 0 : i32
      %dma_wait3A_88 = arith.constant 0 : i32
      %dma_wait3A_89 = tpu.memref_slice %arg29[%run_scoped3A, %dma_wait3A_87, %dma_wait3A_88] : memref<2x32x16xf32, #tpu.memory_space<vmem>> -> memref<1x32x16xf32, #tpu.memory_space<vmem>>
      %dma_wait3A_90 = tpu.memref_squeeze %dma_wait3A_89 : memref<1x32x16xf32, #tpu.memory_space<vmem>> -> memref<32x16xf32, #tpu.memory_space<vmem>>
      %dma_wait3A_91 = arith.constant 0 : i32
      %dma_wait3A_92 = tpu.memref_slice %arg11[%mul3A_71, %dma_wait3A_91] : memref<32768x16xf32, #tpu.memory_space<hbm>> -> memref<32x16xf32, #tpu.memory_space<hbm>>
      %dma_wait3A_93 = arith.constant 0 : i32
      %dma_wait3A_94 = tpu.memref_slice %arg11[%mul3A_71, %dma_wait3A_93] : memref<32768x16xf32, #tpu.memory_space<hbm>> -> memref<32x16xf32, #tpu.memory_space<hbm>>
      %dma_wait3A_95 = arith.constant 0 : i32
      %dma_wait3A_96 = arith.constant 0 : i32
      %dma_wait3A_97 = tpu.memref_slice %arg29[%run_scoped3A, %dma_wait3A_95, %dma_wait3A_96] : memref<2x32x16xf32, #tpu.memory_space<vmem>> -> memref<1x32x16xf32, #tpu.memory_space<vmem>>
      %dma_wait3A_98 = tpu.memref_squeeze %dma_wait3A_97 : memref<1x32x16xf32, #tpu.memory_space<vmem>> -> memref<32x16xf32, #tpu.memory_space<vmem>>
      tpu.wait_dma2 semaphore(%run_scoped3A_75 : memref<!tpu.dma_semaphore, #tpu.memory_space<semaphore_mem>>) src(%dma_wait3A_98 : memref<32x16xf32, #tpu.memory_space<vmem>>) dst(%dma_wait3A_94 : memref<32x16xf32, #tpu.memory_space<hbm>>)
      tpu.yield
    }) : () -> ()
    %mul3A_72 = arith.constant 64 : i32
    %mul3A_73 = arith.muli %sub3A_69, %mul3A_72 : i32
    %run_scoped3A_74 = arith.constant 1 : i32
    "tpu.region"() ({
      %run_scoped3A_75 = tpu.sem_alloc : memref<!tpu.dma_semaphore, #tpu.memory_space<semaphore_mem>>
      %dma_start3A = arith.constant 0 : i32
      %dma_start3A_76 = arith.constant 0 : i32
      %dma_start3A_77 = tpu.memref_slice %arg30[%run_scoped3A_74, %dma_start3A, %dma_start3A_76] : memref<2x64x16xf32, #tpu.memory_space<vmem>> -> memref<1x64x16xf32, #tpu.memory_space<vmem>>
      %dma_start3A_78 = tpu.memref_squeeze %dma_start3A_77 : memref<1x64x16xf32, #tpu.memory_space<vmem>> -> memref<64x16xf32, #tpu.memory_space<vmem>>
      %dma_start3A_79 = arith.constant 0 : i32
      %dma_start3A_80 = tpu.memref_slice %arg12[%mul3A_73, %dma_start3A_79] : memref<65536x16xf32, #tpu.memory_space<hbm>> -> memref<64x16xf32, #tpu.memory_space<hbm>>
      %dma_start3A_81 = arith.constant 0 : i32
      %dma_start3A_82 = tpu.memref_slice %arg12[%mul3A_73, %dma_start3A_81] : memref<65536x16xf32, #tpu.memory_space<hbm>> -> memref<64x16xf32, #tpu.memory_space<hbm>>
      %dma_start3A_83 = arith.constant 0 : i32
      %dma_start3A_84 = arith.constant 0 : i32
      %dma_start3A_85 = tpu.memref_slice %arg30[%run_scoped3A_74, %dma_start3A_83, %dma_start3A_84] : memref<2x64x16xf32, #tpu.memory_space<vmem>> -> memref<1x64x16xf32, #tpu.memory_space<vmem>>
      %dma_start3A_86 = tpu.memref_squeeze %dma_start3A_85 : memref<1x64x16xf32, #tpu.memory_space<vmem>> -> memref<64x16xf32, #tpu.memory_space<vmem>>
      tpu.enqueue_dma source(%dma_start3A_86 : memref<64x16xf32, #tpu.memory_space<vmem>>) target(%dma_start3A_82 : memref<64x16xf32, #tpu.memory_space<hbm>>) target_semaphore(%run_scoped3A_75 : memref<!tpu.dma_semaphore, #tpu.memory_space<semaphore_mem>>)
      %dma_wait3A_87 = arith.constant 0 : i32
      %dma_wait3A_88 = arith.constant 0 : i32
      %dma_wait3A_89 = tpu.memref_slice %arg30[%run_scoped3A_74, %dma_wait3A_87, %dma_wait3A_88] : memref<2x64x16xf32, #tpu.memory_space<vmem>> -> memref<1x64x16xf32, #tpu.memory_space<vmem>>
      %dma_wait3A_90 = tpu.memref_squeeze %dma_wait3A_89 : memref<1x64x16xf32, #tpu.memory_space<vmem>> -> memref<64x16xf32, #tpu.memory_space<vmem>>
      %dma_wait3A_91 = arith.constant 0 : i32
      %dma_wait3A_92 = tpu.memref_slice %arg12[%mul3A_73, %dma_wait3A_91] : memref<65536x16xf32, #tpu.memory_space<hbm>> -> memref<64x16xf32, #tpu.memory_space<hbm>>
      %dma_wait3A_93 = arith.constant 0 : i32
      %dma_wait3A_94 = tpu.memref_slice %arg12[%mul3A_73, %dma_wait3A_93] : memref<65536x16xf32, #tpu.memory_space<hbm>> -> memref<64x16xf32, #tpu.memory_space<hbm>>
      %dma_wait3A_95 = arith.constant 0 : i32
      %dma_wait3A_96 = arith.constant 0 : i32
      %dma_wait3A_97 = tpu.memref_slice %arg30[%run_scoped3A_74, %dma_wait3A_95, %dma_wait3A_96] : memref<2x64x16xf32, #tpu.memory_space<vmem>> -> memref<1x64x16xf32, #tpu.memory_space<vmem>>
      %dma_wait3A_98 = tpu.memref_squeeze %dma_wait3A_97 : memref<1x64x16xf32, #tpu.memory_space<vmem>> -> memref<64x16xf32, #tpu.memory_space<vmem>>
      tpu.wait_dma2 semaphore(%run_scoped3A_75 : memref<!tpu.dma_semaphore, #tpu.memory_space<semaphore_mem>>) src(%dma_wait3A_98 : memref<64x16xf32, #tpu.memory_space<vmem>>) dst(%dma_wait3A_94 : memref<64x16xf32, #tpu.memory_space<hbm>>)
      tpu.yield
    }) : () -> ()
    return
  }
}

module attributes {stable_mosaic.version = 14 : i64} {
  func.func @_mlp_body(%arg0: i32, %arg1: memref<512x128xf32, #tpu.memory_space<vmem>>, %arg2: memref<1024x128xf32, #tpu.memory_space<vmem>>, %arg3: memref<512x128xf32, #tpu.memory_space<vmem>>, %arg4: memref<1024x128xf32, #tpu.memory_space<vmem>>, %arg5: memref<128x128xf32, #tpu.memory_space<vmem>>, %arg6: memref<8x128xf32, #tpu.memory_space<vmem>>, %arg7: memref<128x256xf32, #tpu.memory_space<vmem>>, %arg8: memref<8x256xf32, #tpu.memory_space<vmem>>, %arg9: memref<128x128xf32, #tpu.memory_space<vmem>>, %arg10: memref<8x128xf32, #tpu.memory_space<vmem>>, %arg11: memref<128x256xf32, #tpu.memory_space<vmem>>, %arg12: memref<8x256xf32, #tpu.memory_space<vmem>>, %arg13: memref<32x128xf32, #tpu.memory_space<vmem>>, %arg14: memref<32x128xf32, #tpu.memory_space<vmem>>, %arg15: memref<8x128xf32, #tpu.memory_space<vmem>>, %arg16: memref<128x128xf32, #tpu.memory_space<vmem>>) attributes {dimension_semantics = [#tpu.dimension_semantics<arbitrary>], iteration_bounds = array<i64: 8>, scalar_prefetch = 0 : i64, scratch_operands = 0 : i64, tpu.core_type = #tpu.core_type<tc>, window_params = [{transform_indices = @transform_0, window_bounds = array<i64: 512, 128>}, {transform_indices = @transform_1, window_bounds = array<i64: 1024, 128>}, {transform_indices = @transform_2, window_bounds = array<i64: 512, 128>}, {transform_indices = @transform_3, window_bounds = array<i64: 1024, 128>}, {pipeline_mode = #tpu.pipeline_mode<synchronous>, transform_indices = @transform_4, window_bounds = array<i64: 128, 128>}, {pipeline_mode = #tpu.pipeline_mode<synchronous>, transform_indices = @transform_5, window_bounds = array<i64: 8, 128>}, {pipeline_mode = #tpu.pipeline_mode<synchronous>, transform_indices = @transform_6, window_bounds = array<i64: 128, 256>}, {pipeline_mode = #tpu.pipeline_mode<synchronous>, transform_indices = @transform_7, window_bounds = array<i64: 8, 256>}, {pipeline_mode = #tpu.pipeline_mode<synchronous>, transform_indices = @transform_8, window_bounds = array<i64: 128, 128>}, {pipeline_mode = #tpu.pipeline_mode<synchronous>, transform_indices = @transform_9, window_bounds = array<i64: 8, 128>}, {pipeline_mode = #tpu.pipeline_mode<synchronous>, transform_indices = @transform_10, window_bounds = array<i64: 128, 256>}, {pipeline_mode = #tpu.pipeline_mode<synchronous>, transform_indices = @transform_11, window_bounds = array<i64: 8, 256>}, {pipeline_mode = #tpu.pipeline_mode<synchronous>, transform_indices = @transform_12, window_bounds = array<i64: 32, 128>}, {pipeline_mode = #tpu.pipeline_mode<synchronous>, transform_indices = @transform_13, window_bounds = array<i64: 32, 128>}, {pipeline_mode = #tpu.pipeline_mode<synchronous>, transform_indices = @transform_14, window_bounds = array<i64: 8, 128>}, {transform_indices = @transform_15, window_bounds = array<i64: 128, 128>}]} {
    %iota3A = tpu.iota {dimensions = array<i32: 0>} : vector<128x128xi32>
    %iota3A_0 = tpu.iota {dimensions = array<i32: 1>} : vector<128x128xi32>
    %jit3A = arith.constant 16 : i32
    %div3A = vector.broadcast %jit3A : i32 to vector<128x128xi32>
    %div3A_1 = arith.divsi %iota3A_0, %div3A : vector<128x128xi32>
    %sign3A = arith.constant 0 : i32
    %sign3A_2 = vector.broadcast %sign3A : i32 to vector<128x128xi32>
    %sign3A_3 = arith.cmpi sgt, %iota3A_0, %sign3A_2 : vector<128x128xi32>
    %sign3A_4 = arith.extui %sign3A_3 : vector<128x128xi1> to vector<128x128xi32>
    %sign3A_5 = arith.constant 0 : i32
    %sign3A_6 = vector.broadcast %sign3A_5 : i32 to vector<128x128xi32>
    %sign3A_7 = arith.cmpi slt, %iota3A_0, %sign3A_6 : vector<128x128xi32>
    %sign3A_8 = arith.extui %sign3A_7 : vector<128x128xi1> to vector<128x128xi32>
    %sign3A_9 = arith.subi %sign3A_4, %sign3A_8 : vector<128x128xi32>
    %sign3A_10 = arith.constant 0 : i32
    %sign3A_11 = arith.cmpi sgt, %jit3A, %sign3A_10 : i32
    %sign3A_12 = arith.extui %sign3A_11 : i1 to i32
    %sign3A_13 = arith.constant 0 : i32
    %sign3A_14 = arith.cmpi slt, %jit3A, %sign3A_13 : i32
    %sign3A_15 = arith.extui %sign3A_14 : i1 to i32
    %sign3A_16 = arith.subi %sign3A_12, %sign3A_15 : i32
    %ne3A = vector.broadcast %sign3A_16 : i32 to vector<128x128xi32>
    %ne3A_17 = arith.cmpi ne, %sign3A_9, %ne3A : vector<128x128xi32>
    %rem3A = vector.broadcast %jit3A : i32 to vector<128x128xi32>
    %rem3A_18 = arith.remsi %iota3A_0, %rem3A : vector<128x128xi32>
    %ne3A_19 = arith.constant 0 : i32
    %ne3A_20 = vector.broadcast %ne3A_19 : i32 to vector<128x128xi32>
    %ne3A_21 = arith.cmpi ne, %rem3A_18, %ne3A_20 : vector<128x128xi32>
    %and3A = arith.andi %ne3A_17, %ne3A_21 : vector<128x128xi1>
    %sub3A = arith.constant 1 : i32
    %sub3A_22 = vector.broadcast %sub3A : i32 to vector<128x128xi32>
    %sub3A_23 = arith.subi %div3A_1, %sub3A_22 : vector<128x128xi32>
    %select_n3A = arith.select %and3A, %sub3A_23, %div3A_1 : vector<128x128xi1>, vector<128x128xi32>
    %jit3A_24 = arith.constant 16 : i32
    %div3A_25 = vector.broadcast %jit3A_24 : i32 to vector<128x128xi32>
    %div3A_26 = arith.divsi %iota3A, %div3A_25 : vector<128x128xi32>
    %sign3A_27 = arith.constant 0 : i32
    %sign3A_28 = vector.broadcast %sign3A_27 : i32 to vector<128x128xi32>
    %sign3A_29 = arith.cmpi sgt, %iota3A, %sign3A_28 : vector<128x128xi32>
    %sign3A_30 = arith.extui %sign3A_29 : vector<128x128xi1> to vector<128x128xi32>
    %sign3A_31 = arith.constant 0 : i32
    %sign3A_32 = vector.broadcast %sign3A_31 : i32 to vector<128x128xi32>
    %sign3A_33 = arith.cmpi slt, %iota3A, %sign3A_32 : vector<128x128xi32>
    %sign3A_34 = arith.extui %sign3A_33 : vector<128x128xi1> to vector<128x128xi32>
    %sign3A_35 = arith.subi %sign3A_30, %sign3A_34 : vector<128x128xi32>
    %sign3A_36 = arith.constant 0 : i32
    %sign3A_37 = arith.cmpi sgt, %jit3A_24, %sign3A_36 : i32
    %sign3A_38 = arith.extui %sign3A_37 : i1 to i32
    %sign3A_39 = arith.constant 0 : i32
    %sign3A_40 = arith.cmpi slt, %jit3A_24, %sign3A_39 : i32
    %sign3A_41 = arith.extui %sign3A_40 : i1 to i32
    %sign3A_42 = arith.subi %sign3A_38, %sign3A_41 : i32
    %ne3A_43 = vector.broadcast %sign3A_42 : i32 to vector<128x128xi32>
    %ne3A_44 = arith.cmpi ne, %sign3A_35, %ne3A_43 : vector<128x128xi32>
    %rem3A_45 = vector.broadcast %jit3A_24 : i32 to vector<128x128xi32>
    %rem3A_46 = arith.remsi %iota3A, %rem3A_45 : vector<128x128xi32>
    %ne3A_47 = arith.constant 0 : i32
    %ne3A_48 = vector.broadcast %ne3A_47 : i32 to vector<128x128xi32>
    %ne3A_49 = arith.cmpi ne, %rem3A_46, %ne3A_48 : vector<128x128xi32>
    %and3A_50 = arith.andi %ne3A_44, %ne3A_49 : vector<128x128xi1>
    %sub3A_51 = arith.constant 1 : i32
    %sub3A_52 = vector.broadcast %sub3A_51 : i32 to vector<128x128xi32>
    %sub3A_53 = arith.subi %div3A_26, %sub3A_52 : vector<128x128xi32>
    %select_n3A_54 = arith.select %and3A_50, %sub3A_53, %div3A_26 : vector<128x128xi1>, vector<128x128xi32>
    %eq3A = arith.cmpi eq, %select_n3A, %select_n3A_54 : vector<128x128xi32>
    %jit3A_55 = arith.constant 16 : i32
    %eq3A_56 = arith.constant 0 : i32
    %eq3A_57 = arith.cmpi eq, %jit3A_55, %eq3A_56 : i32
    %jit3A_58 = arith.constant 1 : i32
    %select_n3A_59 = arith.select %eq3A_57, %jit3A_58, %jit3A_55 : i32
    %rem3A_60 = vector.broadcast %select_n3A_59 : i32 to vector<128x128xi32>
    %rem3A_61 = arith.remsi %iota3A_0, %rem3A_60 : vector<128x128xi32>
    %ne3A_62 = arith.constant 0 : i32
    %ne3A_63 = vector.broadcast %ne3A_62 : i32 to vector<128x128xi32>
    %ne3A_64 = arith.cmpi ne, %rem3A_61, %ne3A_63 : vector<128x128xi32>
    %lt3A = arith.constant 0 : i32
    %lt3A_65 = vector.broadcast %lt3A : i32 to vector<128x128xi32>
    %lt3A_66 = arith.cmpi slt, %rem3A_61, %lt3A_65 : vector<128x128xi32>
    %lt3A_67 = arith.constant 0 : i32
    %lt3A_68 = arith.cmpi slt, %select_n3A_59, %lt3A_67 : i32
    %ne3A_69 = vector.broadcast %lt3A_68 : i1 to vector<128x128xi1>
    %ne3A_70 = vector.broadcast %ne3A_69 : vector<128x128xi1> to vector<128x128xi1>
    %ne3A_71 = arith.xori %lt3A_66, %ne3A_70 : vector<128x128xi1>
    %and3A_72 = arith.andi %ne3A_71, %ne3A_64 : vector<128x128xi1>
    %add3A = vector.broadcast %select_n3A_59 : i32 to vector<128x128xi32>
    %add3A_73 = arith.addi %rem3A_61, %add3A : vector<128x128xi32>
    %select_n3A_74 = arith.select %and3A_72, %add3A_73, %rem3A_61 : vector<128x128xi1>, vector<128x128xi32>
    %jit3A_75 = arith.constant 16 : i32
    %eq3A_76 = arith.constant 0 : i32
    %eq3A_77 = arith.cmpi eq, %jit3A_75, %eq3A_76 : i32
    %jit3A_78 = arith.constant 1 : i32
    %select_n3A_79 = arith.select %eq3A_77, %jit3A_78, %jit3A_75 : i32
    %rem3A_80 = vector.broadcast %select_n3A_79 : i32 to vector<128x128xi32>
    %rem3A_81 = arith.remsi %iota3A, %rem3A_80 : vector<128x128xi32>
    %ne3A_82 = arith.constant 0 : i32
    %ne3A_83 = vector.broadcast %ne3A_82 : i32 to vector<128x128xi32>
    %ne3A_84 = arith.cmpi ne, %rem3A_81, %ne3A_83 : vector<128x128xi32>
    %lt3A_85 = arith.constant 0 : i32
    %lt3A_86 = vector.broadcast %lt3A_85 : i32 to vector<128x128xi32>
    %lt3A_87 = arith.cmpi slt, %rem3A_81, %lt3A_86 : vector<128x128xi32>
    %lt3A_88 = arith.constant 0 : i32
    %lt3A_89 = arith.cmpi slt, %select_n3A_79, %lt3A_88 : i32
    %ne3A_90 = vector.broadcast %lt3A_89 : i1 to vector<128x128xi1>
    %ne3A_91 = vector.broadcast %ne3A_90 : vector<128x128xi1> to vector<128x128xi1>
    %ne3A_92 = arith.xori %lt3A_87, %ne3A_91 : vector<128x128xi1>
    %and3A_93 = arith.andi %ne3A_92, %ne3A_84 : vector<128x128xi1>
    %add3A_94 = vector.broadcast %select_n3A_79 : i32 to vector<128x128xi32>
    %add3A_95 = arith.addi %rem3A_81, %add3A_94 : vector<128x128xi32>
    %select_n3A_96 = arith.select %and3A_93, %add3A_95, %rem3A_81 : vector<128x128xi1>, vector<128x128xi32>
    %add3A_97 = arith.constant 3 : i32
    %add3A_98 = vector.broadcast %add3A_97 : i32 to vector<128x128xi32>
    %add3A_99 = arith.addi %select_n3A_96, %add3A_98 : vector<128x128xi32>
    %eq3A_100 = arith.cmpi eq, %select_n3A_74, %add3A_99 : vector<128x128xi32>
    %and3A_101 = arith.andi %eq3A, %eq3A_100 : vector<128x128xi1>
    %jit3A_102 = arith.constant 16 : i32
    %eq3A_103 = arith.constant 0 : i32
    %eq3A_104 = arith.cmpi eq, %jit3A_102, %eq3A_103 : i32
    %jit3A_105 = arith.constant 1 : i32
    %select_n3A_106 = arith.select %eq3A_104, %jit3A_105, %jit3A_102 : i32
    %rem3A_107 = vector.broadcast %select_n3A_106 : i32 to vector<128x128xi32>
    %rem3A_108 = arith.remsi %iota3A, %rem3A_107 : vector<128x128xi32>
    %ne3A_109 = arith.constant 0 : i32
    %ne3A_110 = vector.broadcast %ne3A_109 : i32 to vector<128x128xi32>
    %ne3A_111 = arith.cmpi ne, %rem3A_108, %ne3A_110 : vector<128x128xi32>
    %lt3A_112 = arith.constant 0 : i32
    %lt3A_113 = vector.broadcast %lt3A_112 : i32 to vector<128x128xi32>
    %lt3A_114 = arith.cmpi slt, %rem3A_108, %lt3A_113 : vector<128x128xi32>
    %lt3A_115 = arith.constant 0 : i32
    %lt3A_116 = arith.cmpi slt, %select_n3A_106, %lt3A_115 : i32
    %ne3A_117 = vector.broadcast %lt3A_116 : i1 to vector<128x128xi1>
    %ne3A_118 = vector.broadcast %ne3A_117 : vector<128x128xi1> to vector<128x128xi1>
    %ne3A_119 = arith.xori %lt3A_114, %ne3A_118 : vector<128x128xi1>
    %and3A_120 = arith.andi %ne3A_119, %ne3A_111 : vector<128x128xi1>
    %add3A_121 = vector.broadcast %select_n3A_106 : i32 to vector<128x128xi32>
    %add3A_122 = arith.addi %rem3A_108, %add3A_121 : vector<128x128xi32>
    %select_n3A_123 = arith.select %and3A_120, %add3A_122, %rem3A_108 : vector<128x128xi1>, vector<128x128xi32>
    %lt3A_124 = arith.constant 3 : i32
    %lt3A_125 = vector.broadcast %lt3A_124 : i32 to vector<128x128xi32>
    %lt3A_126 = arith.cmpi slt, %select_n3A_123, %lt3A_125 : vector<128x128xi32>
    %and3A_127 = arith.andi %and3A_101, %lt3A_126 : vector<128x128xi1>
    %convert_element_type3A = arith.extui %and3A_127 : vector<128x128xi1> to vector<128x128xi32>
    %convert_element_type3A_128 = arith.sitofp %convert_element_type3A : vector<128x128xi32> to vector<128x128xf32>
    %get3A = arith.constant 0 : index
    %get3A_129 = arith.constant 0 : index
    %get3A_130 = vector.load %arg1[%get3A, %get3A_129] : memref<512x128xf32, #tpu.memory_space<vmem>>, vector<512x128xf32>
    %get3A_131 = arith.constant 0 : index
    %get3A_132 = arith.constant 0 : index
    %get3A_133 = vector.load %arg3[%get3A_131, %get3A_132] : memref<512x128xf32, #tpu.memory_space<vmem>>, vector<512x128xf32>
    %sub3A_134 = arith.subf %get3A_130, %get3A_133 : vector<512x128xf32>
    %dot_general3A = arith.constant dense<0.000000e+00> : vector<512x128xf32>
    %dot_general3A_135 = tpu.matmul %get3A_130, %convert_element_type3A_128, %dot_general3A {dimension_numbers = #tpu.dot_dimension_numbers<[1], [0], [0], [1], [0, 0, 1, 1], [], []>, precision = #tpu.contract_precision<fp32>, transpose_lhs_hint = false} : vector<512x128xf32>, vector<128x128xf32>, vector<512x128xf32> -> vector<512x128xf32>
    %add3A_136 = arith.addf %sub3A_134, %dot_general3A_135 : vector<512x128xf32>
    %get3A_137 = arith.constant 0 : index
    %get3A_138 = arith.constant 0 : index
    %get3A_139 = vector.load %arg5[%get3A_137, %get3A_138] : memref<128x128xf32, #tpu.memory_space<vmem>>, vector<128x128xf32>
    %dot_general3A_140 = arith.constant dense<0.000000e+00> : vector<512x128xf32>
    %dot_general3A_141 = tpu.matmul %add3A_136, %get3A_139, %dot_general3A_140 {dimension_numbers = #tpu.dot_dimension_numbers<[1], [0], [0], [1], [0, 0, 1, 1], [], []>, precision = #tpu.contract_precision<fp32>, transpose_lhs_hint = false} : vector<512x128xf32>, vector<128x128xf32>, vector<512x128xf32> -> vector<512x128xf32>
    %get3A_142 = arith.constant 0 : index
    %get3A_143 = arith.constant 0 : index
    %get3A_144 = vector.load %arg6[%get3A_142, %get3A_143] : memref<8x128xf32, #tpu.memory_space<vmem>>, vector<1x128xf32>
    %add3A_145 = vector.broadcast %get3A_144 : vector<1x128xf32> to vector<512x128xf32>
    %add3A_146 = arith.addf %dot_general3A_141, %add3A_145 : vector<512x128xf32>
    %max3A = arith.constant 0.000000e+00 : f32
    %max3A_147 = vector.broadcast %max3A : f32 to vector<512x128xf32>
    %max3A_148 = arith.maximumf %add3A_146, %max3A_147 : vector<512x128xf32>
    %get3A_149 = arith.constant 0 : index
    %get3A_150 = arith.constant 0 : index
    %get3A_151 = vector.load %arg7[%get3A_149, %get3A_150] : memref<128x256xf32, #tpu.memory_space<vmem>>, vector<128x256xf32>
    %dot_general3A_152 = arith.constant dense<0.000000e+00> : vector<512x256xf32>
    %dot_general3A_153 = tpu.matmul %max3A_148, %get3A_151, %dot_general3A_152 {dimension_numbers = #tpu.dot_dimension_numbers<[1], [0], [0], [1], [0, 0, 1, 1], [], []>, precision = #tpu.contract_precision<fp32>, transpose_lhs_hint = false} : vector<512x128xf32>, vector<128x256xf32>, vector<512x256xf32> -> vector<512x256xf32>
    %get3A_154 = arith.constant 0 : index
    %get3A_155 = arith.constant 0 : index
    %get3A_156 = vector.load %arg8[%get3A_154, %get3A_155] : memref<8x256xf32, #tpu.memory_space<vmem>>, vector<1x256xf32>
    %add3A_157 = vector.broadcast %get3A_156 : vector<1x256xf32> to vector<512x256xf32>
    %add3A_158 = arith.addf %dot_general3A_153, %add3A_157 : vector<512x256xf32>
    %max3A_159 = arith.constant 0.000000e+00 : f32
    %max3A_160 = vector.broadcast %max3A_159 : f32 to vector<512x256xf32>
    %max3A_161 = arith.maximumf %add3A_158, %max3A_160 : vector<512x256xf32>
    %reshape3A = vector.shape_cast %max3A_161 : vector<512x256xf32> to vector<128x4x256xf32>
    %reduce_max3A = arith.constant dense<0xFF800000> : vector<128x256xf32>
    %reduce_max3A_162 = vector.multi_reduction <maximumf>, %reshape3A, %reduce_max3A [1] : vector<128x4x256xf32> to vector<128x256xf32>
    %slice3A = vector.extract_strided_slice %reduce_max3A_162 {offsets = [0, 0], sizes = [128, 128], strides = [1, 1]} : vector<128x256xf32> to vector<128x128xf32>
    %slice3A_163 = vector.extract_strided_slice %reduce_max3A_162 {offsets = [0, 128], sizes = [128, 128], strides = [1, 1]} : vector<128x256xf32> to vector<128x128xf32>
    %max3A_164 = arith.maximumf %slice3A, %slice3A_163 : vector<128x128xf32>
    %roll3A = arith.constant 64 : i32
    %roll3A_165 = tpu.dynamic_rotate %max3A_164 by %roll3A dim 1 : vector<128x128xf32>, i32 -> vector<128x128xf32>
    %max3A_166 = arith.maximumf %max3A_164, %roll3A_165 : vector<128x128xf32>
    %roll3A_167 = arith.constant 32 : i32
    %roll3A_168 = tpu.dynamic_rotate %max3A_166 by %roll3A_167 dim 1 : vector<128x128xf32>, i32 -> vector<128x128xf32>
    %max3A_169 = arith.maximumf %max3A_166, %roll3A_168 : vector<128x128xf32>
    %slice3A_170 = vector.extract_strided_slice %max3A_169 {offsets = [0, 0], sizes = [128, 32], strides = [1, 1]} : vector<128x128xf32> to vector<128x32xf32>
    %get3A_171 = arith.constant 0 : index
    %get3A_172 = arith.constant 0 : index
    %get3A_173 = vector.load %arg2[%get3A_171, %get3A_172] : memref<1024x128xf32, #tpu.memory_space<vmem>>, vector<1024x128xf32>
    %get3A_174 = arith.constant 0 : index
    %get3A_175 = arith.constant 0 : index
    %get3A_176 = vector.load %arg4[%get3A_174, %get3A_175] : memref<1024x128xf32, #tpu.memory_space<vmem>>, vector<1024x128xf32>
    %sub3A_177 = arith.subf %get3A_173, %get3A_176 : vector<1024x128xf32>
    %dot_general3A_178 = arith.constant dense<0.000000e+00> : vector<1024x128xf32>
    %dot_general3A_179 = tpu.matmul %get3A_173, %convert_element_type3A_128, %dot_general3A_178 {dimension_numbers = #tpu.dot_dimension_numbers<[1], [0], [0], [1], [0, 0, 1, 1], [], []>, precision = #tpu.contract_precision<fp32>, transpose_lhs_hint = false} : vector<1024x128xf32>, vector<128x128xf32>, vector<1024x128xf32> -> vector<1024x128xf32>
    %add3A_180 = arith.addf %sub3A_177, %dot_general3A_179 : vector<1024x128xf32>
    %get3A_181 = arith.constant 0 : index
    %get3A_182 = arith.constant 0 : index
    %get3A_183 = vector.load %arg9[%get3A_181, %get3A_182] : memref<128x128xf32, #tpu.memory_space<vmem>>, vector<128x128xf32>
    %dot_general3A_184 = arith.constant dense<0.000000e+00> : vector<1024x128xf32>
    %dot_general3A_185 = tpu.matmul %add3A_180, %get3A_183, %dot_general3A_184 {dimension_numbers = #tpu.dot_dimension_numbers<[1], [0], [0], [1], [0, 0, 1, 1], [], []>, precision = #tpu.contract_precision<fp32>, transpose_lhs_hint = false} : vector<1024x128xf32>, vector<128x128xf32>, vector<1024x128xf32> -> vector<1024x128xf32>
    %get3A_186 = arith.constant 0 : index
    %get3A_187 = arith.constant 0 : index
    %get3A_188 = vector.load %arg10[%get3A_186, %get3A_187] : memref<8x128xf32, #tpu.memory_space<vmem>>, vector<1x128xf32>
    %add3A_189 = vector.broadcast %get3A_188 : vector<1x128xf32> to vector<1024x128xf32>
    %add3A_190 = arith.addf %dot_general3A_185, %add3A_189 : vector<1024x128xf32>
    %max3A_191 = arith.constant 0.000000e+00 : f32
    %max3A_192 = vector.broadcast %max3A_191 : f32 to vector<1024x128xf32>
    %max3A_193 = arith.maximumf %add3A_190, %max3A_192 : vector<1024x128xf32>
    %get3A_194 = arith.constant 0 : index
    %get3A_195 = arith.constant 0 : index
    %get3A_196 = vector.load %arg11[%get3A_194, %get3A_195] : memref<128x256xf32, #tpu.memory_space<vmem>>, vector<128x256xf32>
    %dot_general3A_197 = arith.constant dense<0.000000e+00> : vector<1024x256xf32>
    %dot_general3A_198 = tpu.matmul %max3A_193, %get3A_196, %dot_general3A_197 {dimension_numbers = #tpu.dot_dimension_numbers<[1], [0], [0], [1], [0, 0, 1, 1], [], []>, precision = #tpu.contract_precision<fp32>, transpose_lhs_hint = false} : vector<1024x128xf32>, vector<128x256xf32>, vector<1024x256xf32> -> vector<1024x256xf32>
    %get3A_199 = arith.constant 0 : index
    %get3A_200 = arith.constant 0 : index
    %get3A_201 = vector.load %arg12[%get3A_199, %get3A_200] : memref<8x256xf32, #tpu.memory_space<vmem>>, vector<1x256xf32>
    %add3A_202 = vector.broadcast %get3A_201 : vector<1x256xf32> to vector<1024x256xf32>
    %add3A_203 = arith.addf %dot_general3A_198, %add3A_202 : vector<1024x256xf32>
    %max3A_204 = arith.constant 0.000000e+00 : f32
    %max3A_205 = vector.broadcast %max3A_204 : f32 to vector<1024x256xf32>
    %max3A_206 = arith.maximumf %add3A_203, %max3A_205 : vector<1024x256xf32>
    %reshape3A_207 = vector.shape_cast %max3A_206 : vector<1024x256xf32> to vector<128x8x256xf32>
    %reduce_max3A_208 = arith.constant dense<0xFF800000> : vector<128x256xf32>
    %reduce_max3A_209 = vector.multi_reduction <maximumf>, %reshape3A_207, %reduce_max3A_208 [1] : vector<128x8x256xf32> to vector<128x256xf32>
    %slice3A_210 = vector.extract_strided_slice %reduce_max3A_209 {offsets = [0, 0], sizes = [128, 128], strides = [1, 1]} : vector<128x256xf32> to vector<128x128xf32>
    %slice3A_211 = vector.extract_strided_slice %reduce_max3A_209 {offsets = [0, 128], sizes = [128, 128], strides = [1, 1]} : vector<128x256xf32> to vector<128x128xf32>
    %max3A_212 = arith.maximumf %slice3A_210, %slice3A_211 : vector<128x128xf32>
    %roll3A_213 = arith.constant 64 : i32
    %roll3A_214 = tpu.dynamic_rotate %max3A_212 by %roll3A_213 dim 1 : vector<128x128xf32>, i32 -> vector<128x128xf32>
    %max3A_215 = arith.maximumf %max3A_212, %roll3A_214 : vector<128x128xf32>
    %roll3A_216 = arith.constant 32 : i32
    %roll3A_217 = tpu.dynamic_rotate %max3A_215 by %roll3A_216 dim 1 : vector<128x128xf32>, i32 -> vector<128x128xf32>
    %max3A_218 = arith.maximumf %max3A_215, %roll3A_217 : vector<128x128xf32>
    %slice3A_219 = vector.extract_strided_slice %max3A_218 {offsets = [0, 0], sizes = [128, 32], strides = [1, 1]} : vector<128x128xf32> to vector<128x32xf32>
    %get3A_220 = arith.constant 0 : index
    %get3A_221 = arith.constant 0 : index
    %get3A_222 = vector.load %arg13[%get3A_220, %get3A_221] : memref<32x128xf32, #tpu.memory_space<vmem>>, vector<32x128xf32>
    %dot_general3A_223 = arith.constant dense<0.000000e+00> : vector<128x128xf32>
    %dot_general3A_224 = tpu.matmul %slice3A_170, %get3A_222, %dot_general3A_223 {dimension_numbers = #tpu.dot_dimension_numbers<[1], [0], [0], [1], [0, 0, 1, 1], [], []>, precision = #tpu.contract_precision<fp32>, transpose_lhs_hint = false} : vector<128x32xf32>, vector<32x128xf32>, vector<128x128xf32> -> vector<128x128xf32>
    %get3A_225 = arith.constant 0 : index
    %get3A_226 = arith.constant 0 : index
    %get3A_227 = vector.load %arg14[%get3A_225, %get3A_226] : memref<32x128xf32, #tpu.memory_space<vmem>>, vector<32x128xf32>
    %dot_general3A_228 = arith.constant dense<0.000000e+00> : vector<128x128xf32>
    %dot_general3A_229 = tpu.matmul %slice3A_219, %get3A_227, %dot_general3A_228 {dimension_numbers = #tpu.dot_dimension_numbers<[1], [0], [0], [1], [0, 0, 1, 1], [], []>, precision = #tpu.contract_precision<fp32>, transpose_lhs_hint = false} : vector<128x32xf32>, vector<32x128xf32>, vector<128x128xf32> -> vector<128x128xf32>
    %add3A_230 = arith.addf %dot_general3A_224, %dot_general3A_229 : vector<128x128xf32>
    %get3A_231 = arith.constant 0 : index
    %get3A_232 = arith.constant 0 : index
    %get3A_233 = vector.load %arg15[%get3A_231, %get3A_232] : memref<8x128xf32, #tpu.memory_space<vmem>>, vector<1x128xf32>
    %add3A_234 = vector.broadcast %get3A_233 : vector<1x128xf32> to vector<128x128xf32>
    %add3A_235 = arith.addf %add3A_230, %add3A_234 : vector<128x128xf32>
    %swap3A = arith.constant 0 : index
    %swap3A_236 = arith.constant 0 : index
    %swap3A_237 = vector.load %arg16[%swap3A, %swap3A_236] : memref<128x128xf32, #tpu.memory_space<vmem>>, vector<128x128xf32>
    tpu.vector_store %arg16[%swap3A, %swap3A_236], %add3A_235 {strides = array<i32>} : memref<128x128xf32, #tpu.memory_space<vmem>>, vector<128x128xf32>,
    return
  }
  func.func @transform_0(%arg0: i32) -> (i32, i32) {
    %c0_i32 = arith.constant 0 : i32
    %c0_i32_0 = arith.constant 0 : i32
    return %arg0, %c0_i32 : i32, i32
  }
  func.func @transform_1(%arg0: i32) -> (i32, i32) {
    %c0_i32 = arith.constant 0 : i32
    %c0_i32_0 = arith.constant 0 : i32
    return %arg0, %c0_i32 : i32, i32
  }
  func.func @transform_2(%arg0: i32) -> (i32, i32) {
    %c0_i32 = arith.constant 0 : i32
    %c0_i32_0 = arith.constant 0 : i32
    return %arg0, %c0_i32 : i32, i32
  }
  func.func @transform_3(%arg0: i32) -> (i32, i32) {
    %c0_i32 = arith.constant 0 : i32
    %c0_i32_0 = arith.constant 0 : i32
    return %arg0, %c0_i32 : i32, i32
  }
  func.func @transform_4(%arg0: i32) -> (i32, i32) {
    %c0_i32 = arith.constant 0 : i32
    %c0_i32_0 = arith.constant 0 : i32
    %c0_i32_1 = arith.constant 0 : i32
    return %c0_i32, %c0_i32_0 : i32, i32
  }
  func.func @transform_5(%arg0: i32) -> (i32, i32) {
    %c0_i32 = arith.constant 0 : i32
    %c0_i32_0 = arith.constant 0 : i32
    %c0_i32_1 = arith.constant 0 : i32
    return %c0_i32, %c0_i32_0 : i32, i32
  }
  func.func @transform_6(%arg0: i32) -> (i32, i32) {
    %c0_i32 = arith.constant 0 : i32
    %c0_i32_0 = arith.constant 0 : i32
    %c0_i32_1 = arith.constant 0 : i32
    return %c0_i32, %c0_i32_0 : i32, i32
  }
  func.func @transform_7(%arg0: i32) -> (i32, i32) {
    %c0_i32 = arith.constant 0 : i32
    %c0_i32_0 = arith.constant 0 : i32
    %c0_i32_1 = arith.constant 0 : i32
    return %c0_i32, %c0_i32_0 : i32, i32
  }
  func.func @transform_8(%arg0: i32) -> (i32, i32) {
    %c0_i32 = arith.constant 0 : i32
    %c0_i32_0 = arith.constant 0 : i32
    %c0_i32_1 = arith.constant 0 : i32
    return %c0_i32, %c0_i32_0 : i32, i32
  }
  func.func @transform_9(%arg0: i32) -> (i32, i32) {
    %c0_i32 = arith.constant 0 : i32
    %c0_i32_0 = arith.constant 0 : i32
    %c0_i32_1 = arith.constant 0 : i32
    return %c0_i32, %c0_i32_0 : i32, i32
  }
  func.func @transform_10(%arg0: i32) -> (i32, i32) {
    %c0_i32 = arith.constant 0 : i32
    %c0_i32_0 = arith.constant 0 : i32
    %c0_i32_1 = arith.constant 0 : i32
    return %c0_i32, %c0_i32_0 : i32, i32
  }
  func.func @transform_11(%arg0: i32) -> (i32, i32) {
    %c0_i32 = arith.constant 0 : i32
    %c0_i32_0 = arith.constant 0 : i32
    %c0_i32_1 = arith.constant 0 : i32
    return %c0_i32, %c0_i32_0 : i32, i32
  }
  func.func @transform_12(%arg0: i32) -> (i32, i32) {
    %c0_i32 = arith.constant 0 : i32
    %c0_i32_0 = arith.constant 0 : i32
    %c0_i32_1 = arith.constant 0 : i32
    return %c0_i32, %c0_i32_0 : i32, i32
  }
  func.func @transform_13(%arg0: i32) -> (i32, i32) {
    %c0_i32 = arith.constant 0 : i32
    %c0_i32_0 = arith.constant 0 : i32
    %c0_i32_1 = arith.constant 0 : i32
    return %c0_i32, %c0_i32_0 : i32, i32
  }
  func.func @transform_14(%arg0: i32) -> (i32, i32) {
    %c0_i32 = arith.constant 0 : i32
    %c0_i32_0 = arith.constant 0 : i32
    %c0_i32_1 = arith.constant 0 : i32
    return %c0_i32, %c0_i32_0 : i32, i32
  }
  func.func @transform_15(%arg0: i32) -> (i32, i32) {
    %c0_i32 = arith.constant 0 : i32
    %c0_i32_0 = arith.constant 0 : i32
    return %arg0, %c0_i32 : i32, i32
  }
}

</mosaic_0001>

<sc_bundles>
// kernel: kernel.4.cloned.1.call-start
scs
__scs_entry_jumppad:
0x0: {  	(pc) =	sbr.rel $0x88, $3  }
0x1: {  	(tag) =	ssettag $0x0;
	lr =	simm.s32 $0x1  }
0x2: {  	[smem:$0x3F92] =	sst lr;
	_ =	strace $0xD0000000  }
0x3: {  	_ = 	snop  }
0x4: {  	_ = 	snop  }
0x5: {  	_ = 	snop  }
0x6: {  	_ = 	snop  }
0x7: {  	_ = 	snop  }
__scs_overlays_trampoline_lowered:
0x8: {  	[smem:$0x3FA1] =	sst s0  }
0x9: {  	[smem:$0x3FA2] =	sst s1  }
0xa: {  	[smem:$0x3FA3] =	sst s2  }
0xb: {  	[smem:$0x3FA4] =	sst s3  }
0xc: {  	[smem:$0x3FA5] =	sst s4  }
0xd: {  	[smem:$0x3FA6] =	sst s5  }
0xe: {  	[smem:$0x3FA7] =	sst s6  }
0xf: {  	[smem:$0x3FA8] =	sst s7  }
0x10: {  	[smem:$0x3FA9] =	sst s8  }
0x11: {  	[smem:$0x3FAA] =	sst s9;
	s0 =	simm.s32 @!p0 $0x0  }
0x12: {  	s1 =	sld [smem:$0x3F90];
	s0 =	simm.s32 @p0 $0x1  }
0x13: {  	[smem:$0x3FAB] =	sst s0;
	s0 =	simm.s32 @!p1 $0x0  }
0x14: {  	s2 =	sld [smem:$0x3F8F];
	s0 =	simm.s32 @p1 $0x1  }
0x15: {  	[smem:$0x3FAC] =	sst s0;
	s0 =	simm.s32 @!p2 $0x0  }
0x16: {  	s3 =	sld [smem:$0x3FDB];
	s0 =	simm.s32 @p2 $0x1  }
0x17: {  	s4 =	simm.s32 $0x1BF5;
	[smem:$0x3FAE] =	sst s0  }
0x18: {  	s0 =	sld [smem:$0x3F91];
	_ =	swait.ge [sflag:s4], $0x0  }
0x19: {  	s7 =	sld [smem:$0x3F92]  }
0x1a: {  	s8 =	sadd.s32 $0xFFFFE003, lr  }
0x1b: {  	s9 =	sadd.s32 $0xFFFFFEF7, lr;
	s5 =	simm.s32 $0xFFFFFFFF;
	p2 =	slt.u32 s8, $0xFFFFF086  }
0x1c: {  	p1 =	slt.u32 s9, $0xF7A;
	s5 =	simm.s32 @!p2 $0x0  }
0x1d: {  	s5 =	simm.s32 @p1 $0x1;
	p0 =	seq.s32 s7, s2  }
0x1e: {  	s7 =	smul.u32 @!p0 $0xF7A, s2;
	p2 =	seq.s32 @!p0 s5, $0x0  }
0x1f: {  	s9 =	smul.u32 $0xF7A, s1;
	s8 =	simm.s32 @!p0 $0x1BF5;
	p2 =	por !p2, p0  }
0x20: {  	[sflag:s8] =	ssyncset.s32 @!p0 $0xFFFFF086;
	s6 =	sadd.s32 @!p0 s3, s7;
	s7 =	simm.s32 @!p0 $0x108  }
0x21: {  	s3 =	sadd.s32 s3, s9;
	s6 =	sadd.s32 @!p0 $0x88, s6;
	s7 =	simm.s32 @p2 $0x1082  }
0x22: {  	[simem:s7], [sflag:s8] =	dma.local @!p0 [hbm:s6], $0xF7A  }
0x23: {  	s9 =	sor.u32 $0xD0000000, s2;
	s6 =	simm.s32 $0x108;
	_ =	swait.ge @!p0 [sflag:s8], $0x0  }
0x24: {  	s3 =	sadd.s32 $0x88, s3;
	s6 =	simm.s32 @!p1 $0x1082;
	[sflag:s4] =	ssyncset.s32 $0xFFFFF086  }
0x25: {  	[simem:s6], [sflag:s4] =	dma.local [hbm:s3], $0xF7A  }
0x26: {  	[smem:$0x3F92] =	sst s1;
	(tag) =	ssettag s2;
	_ =	strace s9  }
0x27: {  	s1 =	sld [smem:$0x3FA2]  }
0x28: {  	s2 =	sld [smem:$0x3FA3]  }
0x29: {  	s4 =	sld [smem:$0x3FA5]  }
0x2a: {  	p0 =	seq.s32 s5, $0x0;
	s5 =	sld [smem:$0x3FA6]  }
0x2b: {  	s6 =	sld [smem:$0x3FA7]  }
0x2c: {  	s7 =	sld [smem:$0x3FA8]  }
0x2d: {  	s3 =	simm.s32 $0x108;
	s8 =	sld [smem:$0x3FA9]  }
0x2e: {  	s3 =	simm.s32 @!p0 $0x1082;
	s9 =	sld [smem:$0x3FAA]  }
0x2f: {  	lr =	sadd.s32 s0, s3;
	s0 =	sld [smem:$0x3FA1]  }
0x30: {  	s3 =	sld [smem:$0x3FA4]  }
0x31: {  	[smem:$0x3FAD] =	sst s10  }
0x32: {  	s10 =	sld [smem:$0x3FAB];
	_ =	sdelay $0x3  }
0x33: {  	p0 =	seq.s32 s10, $0x1;
	s10 =	sld [smem:$0x3FAD];
	_ =	sdelay $0x3  }
0x34: {  	[smem:$0x3FAD] =	sst s10  }
0x35: {  	s10 =	sld [smem:$0x3FAC];
	_ =	sdelay $0x3  }
0x36: {  	p1 =	seq.s32 s10, $0x1;
	s10 =	sld [smem:$0x3FAD];
	_ =	sdelay $0x3  }
0x37: {  	[smem:$0x3FAD] =	sst s10  }
0x38: {  	s10 =	sld [smem:$0x3FAE]  }
0x39: {  	_ = 	snop;
	(pc) =	sbr.ind lr, $3  }
0x3a: {  	_ = 	snop  }
0x3b: {  	_ = 	snop  }
0x3c: {  	p2 =	seq.s32 s10, $0x1;
	s10 =	sld [smem:$0x3FAD]  }
0x3d: {  	_ =	shalt  }
0x3e: {  	_ =	shalt  }
0x3f: {  	_ =	shalt  }
0x40: {  	_ =	shalt  }
0x41: {  	_ =	shalt  }
0x42: {  	_ =	shalt  }
0x43: {  	_ =	shalt  }
0x44: {  	_ =	shalt  }
0x45: {  	_ =	shalt  }
0x46: {  	_ =	shalt  }
0x47: {  	_ =	shalt  }
0x48: {  	_ =	shalt  }
0x49: {  	_ =	shalt  }
0x4a: {  	_ =	shalt  }
0x4b: {  	_ =	shalt  }
0x4c: {  	_ =	shalt  }
0x4d: {  	_ =	shalt  }
0x4e: {  	_ =	shalt  }
0x4f: {  	_ =	shalt  }
0x50: {  	_ =	shalt  }
0x51: {  	_ =	shalt  }
0x52: {  	_ =	shalt  }
0x53: {  	_ =	shalt  }
0x54: {  	_ =	shalt  }
0x55: {  	_ =	shalt  }
0x56: {  	_ =	shalt  }
0x57: {  	_ =	shalt  }
0x58: {  	_ =	shalt  }
0x59: {  	_ =	shalt  }
0x5a: {  	_ =	shalt  }
0x5b: {  	_ =	shalt  }
0x5c: {  	_ =	shalt  }
0x5d: {  	_ =	shalt  }
0x5e: {  	_ =	shalt  }
0x5f: {  	_ =	shalt  }
0x60: {  	_ =	shalt  }
0x61: {  	_ =	shalt  }
0x62: {  	_ =	shalt  }
0x63: {  	_ =	shalt  }
0x64: {  	_ =	shalt  }
0x65: {  	_ =	shalt  }
0x66: {  	_ =	shalt  }
0x67: {  	_ =	shalt  }
0x68: {  	_ =	shalt  }
0x69: {  	_ =	shalt  }
0x6a: {  	_ =	shalt  }
0x6b: {  	_ =	shalt  }
0x6c: {  	_ =	shalt  }
0x6d: {  	_ =	shalt  }
0x6e: {  	_ =	shalt  }
0x6f: {  	_ =	shalt  }
0x70: {  	_ =	shalt  }
0x71: {  	_ =	shalt  }
0x72: {  	_ =	shalt  }
0x73: {  	_ =	shalt  }
0x74: {  	_ =	shalt  }
0x75: {  	_ =	shalt  }
0x76: {  	_ =	shalt  }
0x77: {  	_ =	shalt  }
0x78: {  	_ =	shalt  }
0x79: {  	_ =	shalt  }
0x7a: {  	_ =	shalt  }
0x7b: {  	_ =	shalt  }
0x7c: {  	_ =	shalt  }
0x7d: {  	_ =	shalt  }
0x7e: {  	_ =	shalt  }
0x7f: {  	_ =	shalt  }
0x80: {  	_ =	shalt  }
0x81: {  	_ =	shalt  }
0x82: {  	_ =	shalt  }
0x83: {  	_ =	shalt  }
0x84: {  	_ =	shalt  }
0x85: {  	_ =	shalt  }
0x86: {  	_ =	shalt  }
0x87: {  	_ =	shalt  }
.Lfunc_end0:
.L_simem_size_0:
called_computation_lowered:
.L_overlay_start_0:
0x88: {  	s2 =	sld [smem:$0x3FD9]  }
0x89: {  	s3 =	sld [smem:$0x3FFE];
	_ =	sdelay $0x1  }
0x8a: {  	s1 =	srdreg.scid  }
0x8b: {  	s0 =	sand.u32 $0x1, s1  }
0x8c: {  	s17 =	sshll.u32 s0, $0xA;
	s2 =	sadd.s32 s3, s2  }
0x8d: {  	s2 =	sadd.s32 s2, s17  }
0x8e: {  	[smem:$0x3FB9] =	sst s2  }
0x8f: {  	_ = 	snop  }
0x90: {  	s2 =	sld [smem:$0x3FD0];
	(tm) =	ssettm $0x1  }
0x91: {  	s18 =	sld [smem:$0x3FFB];
	_ =	sdelay $0x3  }
0x92: {  	_ =	strace s18  }
0x93: {  	s3 =	sld [smem:$0x3FFC];
	_ =	sdelay $0x3  }
0x94: {  	_ =	strace s3  }
0x95: {  	s3 =	sld [smem:$0x3FFD];
	_ =	sdelay $0x3  }
0x96: {  	_ =	strace s3  }
0x97: {  	_ =	strace $0x8FFFFFFF  }
0x98: {  	s19 =	sld [smem:$0x3FDB];
	_ =	sdelay $0x1  }
0x99: {  	s4 =	simm.s32 $_scs_section_size  }
0x9a: {  	s5 =	simm.s32 $_size__tile_overlayer_lowered;
	s6 =	simm.s32 $_tile_overlayer_lowered  }
0x9b: {  	s22 =	simm.s32 $0x1BFF;
	s21 =	sshll.u32 s6, $0x1;
	s3 =	sadd.s32 s4, s19  }
0x9c: {  	s7 =	simm.s32 $0x0;
	s20 =	sshll.u32 s5, $0x1;
	s5 =	sadd.s32 s21, s3  }
0x9d: {  	[timem:s7], [sflag:s22] =	dma.local [hbm:s5], s20  }
0x9e: {  	_ =	swait.ge [sflag:s22], s20  }
0x9f: {  	s4 =	ssub.s32 $0x0, s20;
	[sflag:s22] =	ssyncset.done $0x0  }
0xa0: {  	[sflag:s22] =	ssyncadd.s32 s4;
	_ =	sdelay $0x1  }
0xa1: {  	s23 =	simm.s32 $0x1B8B  }
0xa2: {  	_ =	swait.ge [sflag:s23], $0x1  }
0xa3: {  	[sflag:s23] =	ssyncset.done $0x0  }
0xa4: {  	s25 =	simm.s32 $0x1B8E;
	s24 =	sld [smem:$0x3FFE];
	[sflag:s23] =	ssyncadd.s32 $0xFFFFFFFF  }
0xa5: {  	s26 =	simm.s32 $execute0_lowered;
	[smem:$0x3FD2] =	sst s25  }
0xa6: {  	s5 =	sshll.u32 s26, $0x1;
	_ =	strace $0x80000046;
	[dreg:$0x1] =	wrdreg $0xFFFFFFFF  }
0xa7: {  	s28 =	simm.s32 $_size_execute0_lowered;
	s3 =	sadd.s32 s3, s5;
	[dreg:$0x0] =	wrdreg $0x0  }
0xa8: {  	s5 =	sshll.u32 s28, $0x1;
	[dreg:$0x2] =	wrdreg s3  }
0xa9: {  	[dreg:$0x3] =	wrdreg s5  }
0xaa: {  	[dreg:$0x4] =	wrdreg $0xC0  }
0xab: {  	_ =	task [dreg:s7], $0x5FFFF  }
0xac: {  	[dreg:$0x1] =	wrdreg $0xFFFFFFFF  }
0xad: {  	[dreg:$0x0] =	wrdreg $0x60  }
0xae: {  	[dreg:$0x2] =	wrdreg s24  }
0xaf: {  	[dreg:$0x3] =	wrdreg s2  }
0xb0: {  	[dreg:$0x4] =	wrdreg $0x9  }
0xb1: {  	_ =	task.clear_ibuf [dreg:s7], $0x5FFFF;
	_ =	strace $0x90000046  }
0xb2: {  	s29 =	simm.s32 $0x9;
	_ =	strace $0x80000048  }
0xb3: {  	_ =	swait.ge [sflag:s29], $0x1  }
0xb4: {  	[sflag:s29] =	ssyncadd.s32 $0xFFFFFFFF  }
0xb5: {  	_ =	strace $0x90000048  }
0xb6: {  	_ =	sfence  }
0xb7: {  	s30 =	sld [smem:$0x0];
	_ =	sdelay $0x2  }
0xb8: {  	s31 =	sshll.u32 s1, $0xD;
	s1 =	sshrl.u32 s1, $0x2  }
0xb9: {  	s3 =	sand.u32 $0x4000, s31;
	s1 =	sadd.s32 s1, s30  }
0xba: {  	s0 =	sor.u32 s3, s0;
	s1 =	sshll.u32 s1, $0x11  }
0xbb: {  	s0 =	sor.u32 s1, s0  }
0xbc: {  	s0 =	sadd.s32 $0x8F2B, s0  }
0xbd: {  	[sflag:s0] =	ssyncadd.remote.s32 $0x1  }
0xbe: {  	_ =	sfence.sel $0xFFFF  }
0xbf: {  	[dreg:$0x0] =	wrdreg $0xFFFFFFFF;
	(pc) =	sbr.abs _section_cstart, $3  }
0xc0: {  	[dreg:$0x1] =	wrdreg $0xFFFFFFFF  }
0xc1: {  	_ =	task.clear_ibuf [dreg:s7], $0x2FFFF;
	_ =	strace $0x9FFFFFFF  }
0xc2: {  	(tm) =	ssettm $0x7FFFFFFF  }
0xc3: {  	_ =	shalt  }
tec
execute0_lowered:
.L_overlay_start_1:
0x0: {  	(tag) =	ssettag $0x1  }
0x1: {  	s0 =	rddreg [dreg:$0x0]  }
0x2: {  	s1 =	rddreg [dreg:$0x1];
	s3 =	simm.s32 $0x0;
	s2 =	srdreg.scid  }
0x3: {  	s5 =	stileid.u32;
	s18 =	simm.s32 $0x3;
	s28 =	simm.s32 $0x19000  }
0x4: {  	[smem:$0x7FF] =	sst s3;
	s2 =	sand.u32 $0x1, s2;
	s4 =	sadd.s32 $0x105600, s0  }
0x5: {  	s7 =	sshll.u32 s5, $0x6;
	s5 =	sadd.s32 $0x103600, s0;
	s6 =	sadd.s32 $0x101600, s0  }
0x6: {  	s19 =	sadd.s32 $0x41E00, s0;
	s10 =	sadd.s32 $0x21E00, s0;
	_ =	strace $0x80000047  }
0x7: {  	s8 =	sshll.u32 s2, $0x5;
	s2 =	ssub.s32 $0x2, s2;
	[dreg:$0x4] =	wrdreg s19  }
0x8: {  	[dreg:$0x5] =	wrdreg s10;
	s7 =	sor.u32 s8, s7;
	s12 =	sshrl.u32 s2, $0x1  }
0x9: {  	s8 =	sadd.s32 $0x1600, s0;
	s9 =	sshrl.u32 s7, $0x3;
	s20 =	ssub.s32 s2, s12  }
0xa: {  	[dreg:$0x3] =	wrdreg s7;
	s11 =	sadd.s32 s9, s0;
	s0 =	smax.u32 s20, $0x1  }
0xb: {  	s29 =	simm.s32 $0x1A000;
	s21 =	sadd.s32 $0x21A00, s11;
	[dreg:$0xc] =	wrdreg s0  }
0xc: {  	s24 =	sor.u32 $0x1F, s7;
	s22 =	sadd.s32 $0x21800, s11;
	[dreg:$0x6] =	wrdreg s21  }
.Ltmp0:
0xd: {  	s23 =	sadd.s32 $0x21600, s11;
	[dreg:$0x7] =	wrdreg s22;
	(pc) =	sbr.rel .LBB2_1-.Ltmp0, $4  }
0xe: {  	s26 =	sshll.u32 s24, $0x6;
	s25 =	sadd.s32 $0x21C00, s11;
	[dreg:$0x8] =	wrdreg s23  }
0xf: {  	s2 =	sshll.u32 s24, $0x7;
	s31 =	sadd.s32 s19, s26;
	[dreg:$0x9] =	wrdreg s25  }
0x10: {  	s30 =	simm.s32 $0x1B000;
	v0 =	vlaneseq.u32;
	vm3 =	vmxor vm3, vm3;
	s2 =	sadd.s32 s10, s2;
	[dreg:$0xa] =	wrdreg s31  }
0x11: {  	v1 =	vor.u32 $0x10, v0;
	v2 =	vor.u32 $0x20, v0;
	v3 =	vor.u32 $0x30, v0;
	s26 =	simm.s32 $0x18000;
	[dreg:$0xb] =	wrdreg s2;
	s2 =	simm.s32 $0x0  }
.LBB2_11:
0x12: {  	s0 =	simm.s32 $0x1  }
0x13: {  	_ =	swait.ge [sflag:s0], $0x200  }
0x14: {  	[sflag:s0] =	ssyncset.done $0x0  }
0x15: {  	[sflag:s0] =	ssyncadd.s32 $0xFFFFFE00  }
0x16: {  	_ =	swait.ge [sflag:s0], $0x400  }
0x17: {  	[sflag:s0] =	ssyncset.done $0x0  }
0x18: {  	s21 =	simm.s32 $0x2;
	[sflag:s0] =	ssyncadd.s32 $0xFFFFFC00  }
0x19: {  	_ =	swait.ge [sflag:s21], $0x200  }
0x1a: {  	[sflag:s21] =	ssyncset.done $0x0  }
0x1b: {  	[sflag:s21] =	ssyncadd.s32 $0xFFFFFE00  }
0x1c: {  	_ =	swait.ge [sflag:s21], $0x400  }
0x1d: {  	[sflag:s21] =	ssyncset.done $0x0  }
0x1e: {  	s2 =	simm.s32 $0x1C4C0;
	s22 =	rddreg [dreg:$0xa];
	[sflag:s21] =	ssyncadd.s32 $0xFFFFFC00  }
0x1f: {  	[hbm4b:s22+s3] =	stream.linear.scatter [tilespmem:s2], [sflag:$0x3], $0x200, $0x38;
	[tilespmem:$0x1CEC0] =	vst v63  }
0x20: {  	_ =	swait.ge [sflag:s18], $0x200  }
0x21: {  	[sflag:s18] =	ssyncset.done $0x0  }
0x22: {  	s24 =	simm.s32 $0x1CAC0;
	s23 =	rddreg [dreg:$0xb];
	[sflag:s18] =	ssyncadd.s32 $0xFFFFFE00  }
0x23: {  	[hbm4b:s23+s3] =	stream.linear.scatter [tilespmem:s24], [sflag:$0x3], $0x400, $0x38;
	[tilespmem:$0x1CEC0] =	vst v63  }
0x24: {  	_ =	swait.ge [sflag:s18], $0x400  }
0x25: {  	s25 =	rddreg [dreg:$0xd]  }
0x26: {  	s31 =	rddreg [dreg:$0xc];
	s2 =	sadd.s32 $0x1, s25  }
0x27: {  	p0 =	sne.s32 s2, s31  }
.Ltmp1:
0x28: {  	_ = 	snop;
	(pc) =	sbr.rel @!p0 .LBB2_12-.Ltmp1, $3  }
0x29: {  	_ =	sdelay $0x1  }
0x2a: {  	[sflag:s18] =	ssyncset.done $0x0  }
0x2b: {  	[sflag:s18] =	ssyncadd.s32 $0xFFFFFC00  }
.LBB2_1:
0x2c: {  	[dreg:$0xd] =	wrdreg s2  }
0x2d: {  	[tilespmem:s3], [sflag:$0x3] =	stream.linear.gather [hbm4b:s4+s3], $0x6000, $0x38;
	[tilespmem:$0x1CEC0] =	vst v63  }
0x2e: {  	_ =	swait.ge [sflag:s18], $0x6000  }
0x2f: {  	[sflag:s18] =	ssyncset.done $0x0  }
0x30: {  	s0 =	simm.s32 $0x6000;
	[sflag:s18] =	ssyncadd.s32 $0xFFFFA000  }
0x31: {  	[tilespmem:s0], [sflag:$0x3] =	stream.linear.gather [hbm4b:s5+s3], $0x6000, $0x38;
	[tilespmem:$0x1CEC0] =	vst v63  }
0x32: {  	_ =	swait.ge [sflag:s18], $0x6000  }
0x33: {  	[sflag:s18] =	ssyncset.done $0x0  }
0x34: {  	s16 =	simm.s32 $0xC000;
	[sflag:s18] =	ssyncadd.s32 $0xFFFFA000  }
0x35: {  	[tilespmem:s16], [sflag:$0x3] =	stream.linear.gather [hbm4b:s6+s3], $0x6000, $0x38;
	[tilespmem:$0x1CEC0] =	vst v63  }
0x36: {  	_ =	swait.ge [sflag:s18], $0x6000  }
0x37: {  	[sflag:s18] =	ssyncset.done $0x0  }
0x38: {  	s17 =	simm.s32 $0x12000;
	[sflag:s18] =	ssyncadd.s32 $0xFFFFA000  }
0x39: {  	[tilespmem:s17], [sflag:$0x3] =	stream.linear.gather [hbm4b:s1+s3], $0x6000, $0x38;
	[tilespmem:$0x1CEC0] =	vst v63  }
0x3a: {  	_ =	swait.ge [sflag:s18], $0x6000  }
0x3b: {  	[sflag:s18] =	ssyncset.done $0x0  }
0x3c: {  	s20 =	simm.s32 $0x1C000;
	s19 =	rddreg [dreg:$0x6];
	[sflag:s18] =	ssyncadd.s32 $0xFFFFA000  }
0x3d: {  	[tilespmem:s20], [sflag:$0x3] =	stream.linear.gather [hbm4b:s19+s3], $0x20, $0x38;
	[tilespmem:$0x1CEC0] =	vst v63  }
0x3e: {  	_ =	swait.ge [sflag:s18], $0x20  }
0x3f: {  	[sflag:s18] =	ssyncset.done $0x0  }
0x40: {  	s22 =	simm.s32 $0x1C020;
	s21 =	rddreg [dreg:$0x7];
	[sflag:s18] =	ssyncadd.s32 $0xFFFFFFE0  }
0x41: {  	[tilespmem:s22], [sflag:$0x3] =	stream.linear.gather [hbm4b:s21+s3], $0x20, $0x38;
	[tilespmem:$0x1CEC0] =	vst v63  }
0x42: {  	_ =	swait.ge [sflag:s18], $0x20  }
0x43: {  	[sflag:s18] =	ssyncset.done $0x0  }
0x44: {  	s24 =	simm.s32 $0x1C040;
	s23 =	rddreg [dreg:$0x8];
	[sflag:s18] =	ssyncadd.s32 $0xFFFFFFE0  }
0x45: {  	[tilespmem:s24], [sflag:$0x3] =	stream.linear.gather [hbm4b:s23+s3], $0x20, $0x38;
	[tilespmem:$0x1CEC0] =	vst v63  }
0x46: {  	_ =	swait.ge [sflag:s18], $0x20  }
0x47: {  	s31 =	simm.s32 $0x1C060;
	[sflag:s18] =	ssyncset.done $0x0  }
.Ltmp2:
0x48: {  	s25 =	rddreg [dreg:$0x9];
	[sflag:s18] =	ssyncadd.s32 $0xFFFFFFE0;
	(pc) =	sbr.rel .LBB2_2-.Ltmp2, $4  }
0x49: {  	[tilespmem:s31], [sflag:$0x3] =	stream.linear.gather [hbm4b:s25+s3], $0x20, $0x38;
	[tilespmem:$0x1CEC0] =	vst v63  }
0x4a: {  	_ =	swait.ge [sflag:s18], $0x20  }
0x4b: {  	[sflag:s18] =	ssyncset.done $0x0  }
0x4c: {  	s12 =	simm.s32 $0x0;
	[sflag:s18] =	ssyncadd.s32 $0xFFFFFFE0  }
.LBB2_10:
0x4d: {  	s0 =	simm.s32 $0x1C080;
	v5 =	vld [tilespmem:$0x1C080]  }
0x4e: {  	v4 =	vld.msk [tilespmem:s0+$0x0], $0xffff  }
0x4f: {  	p0 =	slt.s32 s14, $0x20  }
0x50: {  	s14 =	simm.s32 @!p0 $0x20  }
0x51: {  	v6 =	vmov s14  }
0x52: {  	s11 =	sand.u32 $0x1, s12;
	vm0 =	vgt.s32 v6, v0  }
0x53: {  	s21 =	sshll.u32 s11, $0x5;
	v5 =	vsel vm0, v5, v4  }
0x54: {  	[tilespmem:s21+$0x1C200] =	vst v5  }
0x55: {  	v5 =	vld [tilespmem:$0x1C090];
	_ =	sdelay $0x3  }
0x56: {  	vm0 =	vgt.s32 v6, v1  }
0x57: {  	v4 =	vsel vm0, v5, v4  }
0x58: {  	s2 =	simm.s32 $0x1C130;
	[tilespmem:s21+$0x1C210] =	vst v4  }
0x59: {  	v4 =	vld.msk [tilespmem:s2+$0x0], $0xffff  }
0x5a: {  	v5 =	vld [tilespmem:$0x1C130]  }
0x5b: {  	p0 =	slt.s32 s13, $0x40  }
0x5c: {  	s13 =	simm.s32 @!p0 $0x40  }
0x5d: {  	v63 =	vmov s13  }
0x5e: {  	vm0 =	vgt.s32 v63, v0  }
0x5f: {  	s22 =	sshll.u32 s11, $0x6;
	v5 =	vsel vm0, v5, v4  }
0x60: {  	[tilespmem:s22+$0x1C240] =	vst v5  }
0x61: {  	v5 =	vld [tilespmem:$0x1C140];
	_ =	sdelay $0x3  }
0x62: {  	vm0 =	vgt.s32 v63, v1  }
0x63: {  	v5 =	vsel vm0, v5, v4  }
0x64: {  	[tilespmem:s22+$0x1C250] =	vst v5  }
0x65: {  	v5 =	vld [tilespmem:$0x1C150];
	_ =	sdelay $0x3  }
0x66: {  	vm0 =	vgt.s32 v63, v2  }
0x67: {  	v5 =	vsel vm0, v5, v4  }
0x68: {  	[tilespmem:s22+$0x1C260] =	vst v5  }
0x69: {  	v5 =	vld [tilespmem:$0x1C160];
	_ =	sdelay $0x3  }
0x6a: {  	vm0 =	vgt.s32 v63, v3  }
0x6b: {  	p0 =	seq.s32 s12, $0x0;
	v4 =	vsel vm0, v5, v4  }
0x6c: {  	s7 =	simm.s32 @!p0 $0x1;
	[tilespmem:s22+$0x1C270] =	vst v4  }
0x6d: {  	_ =	swait.ge @!p0 [sflag:s7], $0x200  }
0x6e: {  	[sflag:s7] =	ssyncset.done @!p0 $0x0  }
0x6f: {  	[sflag:s7] =	ssyncadd.s32 @!p0 $0xFFFFFE00  }
0x70: {  	p1 =	seq.s32 @!p0 s12, $0x1;
	_ =	swait.ge @!p0 [sflag:s7], $0x400  }
0x71: {  	p1 =	por p1, p0;
	[sflag:s7] =	ssyncset.done @!p0 $0x0  }
0x72: {  	[sflag:s7] =	ssyncadd.s32 @!p0 $0xFFFFFC00;
	s7 =	simm.s32 @!p1 $0x2  }
0x73: {  	_ =	swait.ge @!p1 [sflag:s7], $0x200  }
0x74: {  	[sflag:s7] =	ssyncset.done @!p1 $0x0;
	s9 =	rddreg [dreg:$0x3]  }
0x75: {  	s9 =	sor.u32 s9, s12;
	[sflag:s7] =	ssyncadd.s32 @!p1 $0xFFFFFE00  }
0x76: {  	s10 =	sxor.u32 @!p0 $0x1, s11;
	_ =	swait.ge @!p1 [sflag:s7], $0x400;
	s9 =	sadd.s32 @!p0 $0xFFFFFFFF, s9  }
0x77: {  	[sflag:s7] =	ssyncset.done @!p1 $0x0;
	s13 =	sshll.u32 @!p0 s9, $0x6;
	s14 =	rddreg [dreg:$0x4]  }
0x78: {  	[sflag:s7] =	ssyncadd.s32 @!p1 $0xFFFFFC00;
	s7 =	sand.u32 @!p0 $0x1FFFFFC0, s13;
	s13 =	sshll.u32 @!p0 s10, $0x9  }
0x79: {  	s7 =	sadd.s32 @!p0 s14, s7;
	s13 =	sadd.s32 @!p0 $0x1C2C0, s13;
	s14 =	simm.s32 @!p0 $0x0  }
0x7a: {  	[hbm4b:s7+s14] =	stream.linear.scatter @!p0 [tilespmem:s13], [sflag:$0x2], $0x200, $0x38;
	[tilespmem:$0x1CEC0] =	vst v63  }
0x7b: {  	s7 =	sshll.u32 @!p0 s9, $0x7  }
0x7c: {  	s9 =	sshll.u32 @!p0 s10, $0xA;
	s10 =	rddreg [dreg:$0x5];
	s7 =	sand.u32 @!p0 $0x1FFFFF80, s7  }
0x7d: {  	s12 =	sadd.s32 $0x1, s12;
	s9 =	sadd.s32 @!p0 $0x1C6C0, s9;
	s7 =	sadd.s32 @!p0 s10, s7  }
0x7e: {  	[hbm4b:s7+s14] =	stream.linear.scatter @!p0 [tilespmem:s9], [sflag:$0x2], $0x400, $0x38;
	[tilespmem:$0x1CEC0] =	vst v63  }
0x7f: {  	p0 =	sne.s32 s12, $0x20  }
.Ltmp3:
0x80: {  	s24 =	simm.s32 $0x20;
	s23 =	sshll.u32 s11, $0x9;
	(pc) =	sbr.rel @!p0 .LBB2_11-.Ltmp3, $4  }
0x81: {  	s25 =	sshll.u32 s11, $0xA;
	s0 =	sor.u32 $0x1C200, s21;
	s7 =	sadd.s32 $0x1C2C0, s23  }
0x82: {  	[tilespmem:s7], [sflag:$0x1] =	stream.indirect.gather [hbm4b:s8+s24], $0x10, s0, s24, $0xb8;
	[tilespmem:$0x1CEC0] =	vst v63  }
0x83: {  	s31 =	simm.s32 $0x40;
	s2 =	sadd.s32 $0x1C240, s22;
	s0 =	sadd.s32 $0x1C6C0, s25  }
0x84: {  	[tilespmem:s0], [sflag:$0x1] =	stream.indirect.gather [hbm4b:s8+s31], $0x10, s2, s31, $0xb8;
	[tilespmem:$0x1CEC0] =	vst v63  }
.LBB2_2:
0x85: {  	v7 =	vmov s12;
	_ =	sdelay $0x3  }
0x86: {  	s0 =	simm.s32 $0x1C000;
	s13 =	simm.s32 $0x0  }
0x87: {  	s24 =	simm.s32 $0x1C020;
	p0 =	por $0x1, $0x1;
	s15 =	simm.s32 $0x40;
	v4 =	vld.idx.msk [tilespmem:v7+s0+$0x0], $0xffff  }
0x88: {  	s16 =	simm.s32 $0x12040;
	s25 =	simm.s32 $0x1C040;
	s17 =	simm.s32 $0xC040;
	v5 =	vld.idx.msk [tilespmem:v7+s24+$0x0], $0xffff  }
0x89: {  	s20 =	simm.s32 $0x6040;
	s21 =	simm.s32 $0x40;
	s31 =	simm.s32 $0x1C060;
	v6 =	vld.idx.msk [tilespmem:v7+s25+$0x0], $0xffff  }
0x8a: {  	p1 =	por $0x1, $0x1;
	s14 =	simm.s32 $0x0;
	s11 =	simm.s32 $0x0;
	v7 =	vld.idx.msk [tilespmem:v7+s31+$0x0], $0xffff  }
.LBB2_3:
0x8b: {  	v8 =	vld [tilespmem:s15+$0xFFFFFFC0]  }
0x8c: {  	v9 =	vld [tilespmem:s20+$0xFFFFFFC0]  }
0x8d: {  	v10 =	vld [tilespmem:s17+$0xFFFFFFC0]  }
0x8e: {  	v11 =	vld [tilespmem:s16+$0xFFFFFFC0]  }
0x8f: {  	v12 =	vld [tilespmem:s15+$0xFFFFFFD0]  }
0x90: {  	v13 =	vld [tilespmem:s20+$0xFFFFFFD0]  }
0x91: {  	v14 =	vld [tilespmem:s17+$0xFFFFFFD0]  }
0x92: {  	v15 =	vld [tilespmem:s16+$0xFFFFFFD0]  }
0x93: {  	v16 =	vld [tilespmem:s15+$0xFFFFFFE0]  }
0x94: {  	v17 =	vld [tilespmem:s20+$0xFFFFFFE0]  }
0x95: {  	v19 =	vld [tilespmem:s16+$0xFFFFFFE0]  }
0x96: {  	v20 =	vld [tilespmem:s15+$0xFFFFFFF0]  }
0x97: {  	v21 =	vld [tilespmem:s20+$0xFFFFFFF0]  }
0x98: {  	v22 =	vld [tilespmem:s17+$0xFFFFFFF0]  }
0x99: {  	v28 =	vld [tilespmem:s16+$0xFFFFFFF0]  }
0x9a: {  	v23 =	vld [tilespmem:s15+$0x0]  }
0x9b: {  	v30 =	vld [tilespmem:s20+$0x0];
	v8 =	vmul.f32 v8, v4  }
0x9c: {  	v25 =	vld [tilespmem:s16+$0x0];
	v9 =	vmul.f32 v9, v5;
	v27 =	vmul.f32 v10, v6  }
0x9d: {  	v41 =	vld [tilespmem:s15+$0x30];
	v29 =	vmul.f32 v12, v4;
	v13 =	vmul.f32 v13, v5  }
0x9e: {  	v52 =	vld [tilespmem:s16+$0x10];
	v14 =	vmul.f32 v14, v6;
	v16 =	vmul.f32 v16, v4  }
0x9f: {  	v42 =	vld [tilespmem:s20+$0x30];
	v11 =	vadd.f32 v11, v7;
	v17 =	vmul.f32 v17, v5;
	v31 =	vmul.f32 v20, v4  }
0xa0: {  	v18 =	vld [tilespmem:s17+$0xFFFFFFE0];
	v32 =	vmul.f32 v21, v5;
	v37 =	vmul.f32 v22, v6;
	v15 =	vadd.f32 v15, v7  }
0xa1: {  	v24 =	vld [tilespmem:s17+$0x0];
	v19 =	vadd.f32 v19, v7;
	v10 =	vadd.f32 v28, v7;
	v43 =	vmul.f32 v23, v4  }
0xa2: {  	v33 =	vld [tilespmem:s15+$0x10];
	v12 =	vmul.f32 v30, v5;
	v48 =	vadd.f32 v25, v7;
	v8 =	vadd.f32 v9, v8  }
0xa3: {  	v39 =	vld [tilespmem:s15+$0x20];
	v20 =	vmul.f32 v41, v4;
	v54 =	vadd.f32 v52, v7;
	v9 =	vadd.f32 v13, v29  }
0xa4: {  	v40 =	vld [tilespmem:s20+$0x20];
	v22 =	vmul.f32 v42, v5;
	v34 =	vadd.f32 v17, v16;
	v8 =	vadd.f32 v27, v8  }
0xa5: {  	v44 =	vld [tilespmem:s17+$0x20];
	v35 =	vmul.f32 v18, v6;
	v13 =	vadd.f32 v32, v31;
	v12 =	vadd.f32 v12, v43  }
0xa6: {  	v36 =	vld [tilespmem:s20+$0x10];
	v45 =	vmul.f32 v24, v6;
	v20 =	vadd.f32 v22, v20;
	v8 =	vadd.f32 v8, v8  }
0xa7: {  	v46 =	vld [tilespmem:s17+$0x30];
	v47 =	vmul.f32 v33, v4;
	v9 =	vadd.f32 v14, v9;
	v13 =	vadd.f32 v37, v13  }
0xa8: {  	v38 =	vld [tilespmem:s17+$0x10];
	v16 =	vmul.f32 v39, v4;
	v8 =	vsub.f32 v11, v8;
	v11 =	vadd.f32 v35, v34  }
0xa9: {  	v49 =	vld [tilespmem:s16+$0x20];
	v14 =	vmul.f32 v40, v5;
	v12 =	vadd.f32 v45, v12;
	v9 =	vadd.f32 v9, v9  }
0xaa: {  	v51 =	vld [tilespmem:s16+$0x30];
	v50 =	vmul.f32 v44, v6;
	v13 =	vadd.f32 v13, v13;
	v11 =	vadd.f32 v11, v11  }
0xab: {  	v17 =	vmul.f32 v36, v5;
	v14 =	vadd.f32 v14, v16;
	v9 =	vsub.f32 v15, v9  }
0xac: {  	v10 =	vsub.f32 v10, v13;
	v11 =	vsub.f32 v19, v11;
	v19 =	vmul.f32 v46, v6  }
0xad: {  	v18 =	vmul.f32 v38, v6;
	v15 =	vadd.f32 v17, v47;
	v14 =	vadd.f32 v50, v14  }
0xae: {  	v13 =	vadd.f32 v49, v7;
	v53 =	vadd.f32 v19, v20  }
0xaf: {  	v17 =	vadd.f32 v51, v7;
	v15 =	vadd.f32 v18, v15  }
0xb0: {  	v14 =	vadd.f32 v14, v14;
	v16 =	vadd.f32 v53, v53  }
0xb1: {  	v12 =	vadd.f32 v12, v12;
	v15 =	vadd.f32 v15, v15  }
0xb2: {  	vm0 =	vmmov vm3;
	v13 =	vsub.f32 v13, v14;
	v55 =	vsub.f32 v17, v16  }
0xb3: {  	vm0 =	vmneg @p1 vm0;
	v15 =	vsub.f32 v54, v15  }
0xb4: {  	v12 =	vsub.f32 v48, v12;
	vm1 =	vlt.f32 v13, $9.999999770e-03;
	vm3 =	vlt.f32 v55, $9.999999770e-03  }
0xb5: {  	vm9 =	vmand vm0, vm1;
	vm4 =	vlt.f32 v15, $9.999999770e-03;
	vm11 =	vmand vm0, vm3  }
0xb6: {  	vm5 =	vlt.f32 v12, $9.999999770e-03;
	vm7 =	vmand vm0, vm4;
	vm4 =	vmor vm9, vm11  }
0xb7: {  	vm6 =	vlt.f32 v10, $9.999999770e-03;
	vm2 =	vmand vm0, vm5;
	vm4 =	vmor vm7, vm4  }
0xb8: {  	vm5 =	vlt.f32 v11, $9.999999770e-03;
	vm3 =	vmand vm0, vm6;
	vm4 =	vmor vm2, vm4  }
0xb9: {  	vm10 =	vlt.f32 v9, $9.999999770e-03;
	vm14 =	vmand vm0, vm5;
	vm4 =	vmor vm3, vm4  }
0xba: {  	vm15 =	vmand vm0, vm10;
	vm5 =	vlt.f32 v8, $9.999999770e-03;
	vm4 =	vmor vm14, vm4  }
0xbb: {  	vm10 =	vmand vm0, vm5;
	vm4 =	vmor vm15, vm4  }
0xbc: {  	vm4 =	vmor vm10, vm4  }
0xbd: {  	v58 =	vmpcnt.ones.xlane vm4;
	_ =	sdelay $0x1  }
0xbe: {  	(v2sf) =	vpush v58, $0x0;
	_ =	sdelay $0x7  }
0xbf: {  	vm12 =	vmxor vm12, vm12  }
0xc0: {  	vm12 =	vmneg @p0 vm12;
	vm5 =	vlt.f32 v11, $3.999999910e-02;
	vm4 =	vlt.f32 v8, $3.999999910e-02  }
0xc1: {  	vm8 =	vmand vm12, vm5;
	vm0 =	vmand vm12, vm4;
	vm4 =	vlt.f32 v9, $3.999999910e-02  }
0xc2: {  	vm5 =	vlt.f32 v13, $3.999999910e-02;
	vm13 =	vmand vm12, vm4;
	vm4 =	vlt.f32 v10, $3.999999910e-02  }
0xc3: {  	v8 =	vimm.s32 $0x0;
	vm6 =	vmand vm12, vm4;
	vm4 =	vlt.f32 v12, $3.999999910e-02  }
0xc4: {  	v8 =	vsel vm0, $0xFFFFFFFF, v8;
	vm0 =	vmand vm12, vm4;
	vm4 =	vlt.f32 v55, $3.999999910e-02  }
0xc5: {  	vm1 =	vlt.f32 v15, $3.999999910e-02;
	vm5 =	vmand vm12, vm5;
	vm4 =	vmand vm12, vm4  }
0xc6: {  	[tilespmem:$0x1FFC0] =	vst v8;
	v8 =	vimm.s32 $0x0;
	vm12 =	vmand vm12, vm1;
	vm1 =	vmor vm5, vm4;
	s0 =	spop (v2sf)  }
0xc7: {  	v8 =	vsel vm4, $0xFFFFFFFF, v8;
	vm1 =	vmor vm12, vm1;
	p0 =	slt.s32 s0, $0x1  }
0xc8: {  	v56 =	vimm.s32 $0x0;
	[tilespmem:$0x1FFD0] =	vst v8;
	vm1 =	vmor vm0, vm1;
	v8 =	vmpcnt.ones.xlane @!p0 vm10  }
0xc9: {  	v16 =	vsel vm2, $0xFFFFFFFF, v56;
	v59 =	vld [tilespmem:$0x1FFC0];
	vm1 =	vmor vm6, vm1;
	v9 =	vmpcnt.ones.xlane @!p0 vm15  }
0xca: {  	vm1 =	vmor vm8, vm1;
	(v2sf) =	vpush @!p0 v8, $0x0;
	v8 =	vmpcnt.ones.xlane @!p0 vm14  }
0xcb: {  	vm1 =	vmor vm13, vm1;
	(v2sf) =	vpush @!p0 v9, $0x0;
	v9 =	vmpcnt.ones.xlane @!p0 vm3  }
0xcc: {  	(v2sf) =	vpush @!p0 v8, $0x0;
	v8 =	vmpcnt.ones.xlane @!p0 vm2;
	vm2 =	vmmov vm6  }
0xcd: {  	vm6 =	vmmov vm9;
	(v2sf) =	vpush @!p0 v9, $0x0;
	v9 =	vmpcnt.ones.xlane @!p0 vm7  }
0xce: {  	(v2sf) =	vpush @!p0 v8, $0x0;
	v8 =	vmpcnt.ones.xlane @!p0 vm9;
	vm9 =	vnez.u8 v59  }
0xcf: {  	(v2sf) =	vpush @!p0 v9, $0x0;
	v9 =	vmpcnt.ones.xlane @!p0 vm11;
	vm1 =	vmor vm9, vm1  }
0xd0: {  	v60 =	vmpcnt.ones.xlane vm1;
	(v2sf) =	vpush @!p0 v8, $0x0  }
0xd1: {  	(v2sf) =	vpush @!p0 v9, $0x0  }
0xd2: {  	(v2sf) =	vpush v60, $0x0;
	_ =	sdelay $0x6  }
0xd3: {  	s0 =	spop @!p0 (v2sf)  }
0xd4: {  	s2 =	spop @!p0 (v2sf)  }
0xd5: {  	s19 =	spop @!p0 (v2sf)  }
0xd6: {  	s22 =	spop @!p0 (v2sf)  }
0xd7: {  	s23 =	spop @!p0 (v2sf)  }
0xd8: {  	s24 =	spop @!p0 (v2sf)  }
0xd9: {  	s25 =	spop @!p0 (v2sf)  }
0xda: {  	s31 =	spop @!p0 (v2sf)  }
0xdb: {  	s7 =	spop (v2sf)  }
0xdc: {  	p2 =	slt.s32 s7, $0x1  }
0xdd: {  	v8 =	vmpcnt.ones.xlane @!p2 vm9  }
0xde: {  	v61 =	vld [tilespmem:$0x1FFD0];
	v9 =	vmpcnt.ones.xlane @!p2 vm13  }
0xdf: {  	(v2sf) =	vpush @!p2 v8, $0x0;
	v8 =	vmpcnt.ones.xlane @!p2 vm8  }
0xe0: {  	(v2sf) =	vpush @!p2 v9, $0x0;
	v9 =	vmpcnt.ones.xlane @!p2 vm2  }
0xe1: {  	vm4 =	vmmov vm0;
	(v2sf) =	vpush @!p2 v8, $0x0;
	v8 =	vmpcnt.ones.xlane @!p2 vm0  }
0xe2: {  	vm0 =	vmmov vm5;
	(v2sf) =	vpush @!p2 v9, $0x0;
	v9 =	vmpcnt.ones.xlane @!p2 vm12  }
0xe3: {  	(v2sf) =	vpush @!p2 v8, $0x0;
	v8 =	vmpcnt.ones.xlane @!p2 vm5;
	vm5 =	vnez.u8 v61  }
0xe4: {  	v57 =	vimm.s32 $0x0;
	(v2sf) =	vpush @!p2 v9, $0x0;
	v9 =	vmpcnt.ones.xlane @!p2 vm5  }
0xe5: {  	[tilespmem:$0x1FFF0] =	vst v16;
	v16 =	vsel vm3, $0xFFFFFFFF, v57;
	(v2sf) =	vpush @!p2 v8, $0x0  }
0xe6: {  	[tilespmem:$0x1FFE0] =	vst v16;
	(v2sf) =	vpush @!p2 v9, $0x0  }
0xe7: {  	v62 =	vld [tilespmem:$0x1FFE0]  }
0xe8: {  	v63 =	vld [tilespmem:$0x1FFF0];
	s7 =	sadd.s32 $0xFFFFFFC0, s21  }
0xe9: {  	s10 =	smov.u32 s14;
	v8 =	vor.u32 s7, v0;
	s7 =	sadd.s32 $0xFFFFFFD0, s21  }
0xea: {  	s0 =	sadd.s32 @!p0 s10, s0;
	[tilespmem:s14+$0x1C080] =	vst.msk @!p0 vm10, v8;
	v9 =	vor.u32 s7, v0;
	s7 =	sadd.s32 $0xFFFFFFE0, s21  }
0xeb: {  	[tilespmem:s0+$0x1C080] =	vst.msk @!p0 vm15, v9;
	v10 =	vor.u32 s7, v0;
	s0 =	sadd.s32 @!p0 s0, s2;
	s2 =	sadd.s32 $0xFFFFFFF0, s21  }
0xec: {  	vm1 =	vmmov vm2;
	vm2 =	vnez.u8 v62;
	[tilespmem:s0+$0x1C080] =	vst.msk @!p0 vm14, v10;
	v11 =	vor.u32 s2, v0;
	s0 =	sadd.s32 @!p0 s0, s19  }
0xed: {  	v12 =	vor.u32 s21, v0;
	s19 =	smov.u32 s13;
	[tilespmem:s0+$0x1C080] =	vst.msk @!p0 vm2, v11;
	s0 =	sadd.s32 @!p0 s0, s22;
	vm2 =	vnez.u8 v63  }
0xee: {  	s22 =	sadd.s32 $0x10, s21;
	[tilespmem:s0+$0x1C080] =	vst.msk @!p0 vm2, v12;
	s0 =	sadd.s32 @!p0 s0, s23;
	s9 =	spop @!p2 (v2sf)  }
0xef: {  	v13 =	vor.u32 s22, v0;
	s22 =	sadd.s32 $0x20, s21;
	s14 =	spop @!p2 (v2sf);
	s9 =	sadd.s32 @!p2 s19, s9  }
0xf0: {  	s23 =	sadd.s32 $0x30, s21;
	s7 =	spop @!p2 (v2sf);
	s14 =	sadd.s32 @!p2 s9, s14  }
0xf1: {  	[tilespmem:s0+$0x1C080] =	vst.msk @!p0 vm7, v13;
	v14 =	vor.u32 s22, v0;
	s0 =	sadd.s32 @!p0 s0, s24;
	s2 =	spop @!p2 (v2sf);
	s7 =	sadd.s32 @!p2 s14, s7  }
0xf2: {  	v15 =	vor.u32 s23, v0;
	[tilespmem:s0+$0x1C080] =	vst.msk @!p0 vm6, v14;
	s0 =	sadd.s32 @!p0 s0, s25;
	s22 =	spop @!p2 (v2sf);
	s2 =	sadd.s32 @!p2 s7, s2  }
0xf3: {  	[tilespmem:s0+$0x1C080] =	vst.msk @!p0 vm11, v15;
	s13 =	spop @!p2 (v2sf);
	s22 =	sadd.s32 @!p2 s2, s22  }
0xf4: {  	[tilespmem:s19+$0x1C130] =	vst.msk @!p2 vm9, v8;
	s23 =	spop @!p2 (v2sf);
	s24 =	sadd.s32 @!p2 s22, s13  }
0xf5: {  	[tilespmem:s9+$0x1C130] =	vst.msk @!p2 vm13, v9;
	s9 =	sadd.s32 @!p2 s24, s23;
	s13 =	spop @!p2 (v2sf)  }
0xf6: {  	[tilespmem:s14+$0x1C130] =	vst.msk @!p2 vm8, v10;
	s14 =	sadd.s32 @!p0 s0, s31;
	s13 =	sadd.s32 @!p2 s9, s13  }
0xf7: {  	s14 =	smov.u32 @p0 s10;
	s13 =	smov.u32 @p2 s19  }
0xf8: {  	p1 =	slt.s32 s14, $0x20;
	p0 =	slt.s32 s13, $0x40  }
0xf9: {  	p4 =	sgt.u32 s11, $0xBE;
	p3 =	por p1, p0  }
0xfa: {  	p4 =	por p4, !p3  }
.Ltmp4:
0xfb: {  	[tilespmem:s7+$0x1C130] =	vst.msk @!p2 vm1, v11;
	(pc) =	sbr.rel @!p4 .LBB2_3-.Ltmp4, $4  }
0xfc: {  	[tilespmem:s2+$0x1C130] =	vst.msk @!p2 vm4, v12  }
0xfd: {  	[tilespmem:s22+$0x1C130] =	vst.msk @!p2 vm12, v13  }
0xfe: {  	s11 =	sadd.s32 $0x1, s11;
	s16 =	sadd.s32 $0x80, s16;
	s17 =	sadd.s32 $0x80, s17;
	[tilespmem:s24+$0x1C130] =	vst.msk @!p2 vm0, v14  }
0xff: {  	s15 =	sadd.s32 $0x80, s15;
	s20 =	sadd.s32 $0x80, s20;
	vm3 =	vmxor vm3, vm3;
	s21 =	sadd.s32 $0x80, s21;
	[tilespmem:s9+$0x1C130] =	vst.msk @!p2 vm5, v15  }
.Ltmp5:
0x100: {  	(pc) =	sbr.rel @!p3 .LBB2_10-.Ltmp5, $1  }
0x101: {  	_ =	sdelay $0x3  }
0x102: {  	s15 =	simm.s32 $0x6;
	s11 =	simm.s32 $0x6000  }
.LBB2_6:
0x103: {  	s0 =	sshll.u32 s15, $0x9  }
0x104: {  	s2 =	sadd.s32 s4, s0  }
0x105: {  	[tilespmem:s26], [sflag:$0x3] =	stream.linear.gather [hbm4b:s2+s3], $0x1000, $0x38;
	[tilespmem:$0x1CEC0] =	vst v63  }
0x106: {  	_ =	swait.ge [sflag:s18], $0x1000  }
0x107: {  	[sflag:s18] =	ssyncset.done $0x0  }
0x108: {  	s25 =	sadd.s32 s5, s0;
	[sflag:s18] =	ssyncadd.s32 $0xFFFFF000  }
0x109: {  	[tilespmem:s28], [sflag:$0x3] =	stream.linear.gather [hbm4b:s25+s3], $0x1000, $0x38;
	[tilespmem:$0x1CEC0] =	vst v63  }
0x10a: {  	_ =	swait.ge [sflag:s18], $0x1000  }
0x10b: {  	[sflag:s18] =	ssyncset.done $0x0  }
0x10c: {  	p2 =	slt.s32 s14, $0x20;
	s31 =	sadd.s32 s6, s0;
	[sflag:s18] =	ssyncadd.s32 $0xFFFFF000  }
0x10d: {  	[tilespmem:s29], [sflag:$0x3] =	stream.linear.gather [hbm4b:s31+s3], $0x1000, $0x38;
	[tilespmem:$0x1CEC0] =	vst v63  }
0x10e: {  	p0 =	sgt.s32 @!p2 s13, $0x3F;
	_ =	swait.ge [sflag:s18], $0x1000  }
0x10f: {  	p0 =	por p2, !p0;
	[sflag:s18] =	ssyncset.done $0x0  }
.Ltmp6:
0x110: {  	s0 =	sadd.s32 s1, s0;
	[sflag:s18] =	ssyncadd.s32 $0xFFFFF000;
	(pc) =	sbr.rel @!p0 .LBB2_10-.Ltmp6, $4  }
0x111: {  	[tilespmem:s30], [sflag:$0x3] =	stream.linear.gather [hbm4b:s0+s3], $0x1000, $0x38;
	[tilespmem:$0x1CEC0] =	vst v63  }
0x112: {  	_ =	swait.ge [sflag:s18], $0x1000  }
0x113: {  	[sflag:s18] =	ssyncset.done $0x0  }
0x114: {  	[sflag:s18] =	ssyncadd.s32 $0xFFFFF000  }
0x115: {  	s16 =	simm.s32 $0x1B000;
	s17 =	simm.s32 $0x1A000;
	s20 =	simm.s32 $0x19000  }
0x116: {  	s21 =	simm.s32 $0x18000;
	p0 =	slt.s32 s13, $0x40;
	s31 =	smov.u32 s11  }
0x117: {  	p1 =	por p2, p2;
	s13 =	smov.u32 @p2 s13;
	s0 =	simm.s32 $0x0  }
0x118: {  	s14 =	smov.u32 @p2 s14;
	s16 =	simm.s32 @p2 $0x1B000;
	s17 =	simm.s32 @p2 $0x1A000  }
0x119: {  	s20 =	simm.s32 @p2 $0x19000;
	s21 =	simm.s32 @p2 $0x18000;
	s31 =	smov.u32 @p2 s11  }
0x11a: {  	p0 =	por @!p2 p0, p0;
	p1 =	por @!p2 p2, p2;
	s0 =	simm.s32 @p2 $0x0  }
.LBB2_8:
0x11b: {  	v8 =	vld [tilespmem:s21+$0x0]  }
0x11c: {  	v9 =	vld [tilespmem:s20+$0x0];
	_ =	sdelay $0x1  }
0x11d: {  	v10 =	vld [tilespmem:s17+$0x0];
	_ =	sdelay $0x2  }
0x11e: {  	v8 =	vmul.f32 v8, v4;
	v9 =	vmul.f32 v9, v5  }
0x11f: {  	v11 =	vld [tilespmem:s16+$0x0]  }
0x120: {  	v61 =	vmul.f32 v10, v6;
	v8 =	vadd.f32 v9, v8;
	_ =	sdelay $0x1  }
0x121: {  	v8 =	vadd.f32 v61, v8;
	_ =	sdelay $0x1  }
0x122: {  	v62 =	vadd.f32 v11, v7;
	v8 =	vadd.f32 v8, v8;
	_ =	sdelay $0x1  }
0x123: {  	v8 =	vsub.f32 v62, v8  }
0x124: {  	vm0 =	vmmov vm3  }
0x125: {  	vm2 =	vmmov vm3;
	vm0 =	vmneg @p1 vm0;
	vm1 =	vlt.f32 v8, $9.999999770e-03  }
0x126: {  	vm2 =	vmneg @p0 vm2;
	vm0 =	vmand vm0, vm1;
	vm1 =	vlt.f32 v8, $3.999999910e-02  }
0x127: {  	vm1 =	vmand vm2, vm1;
	v8 =	vmpcnt.ones.xlane vm0  }
0x128: {  	v63 =	vmpcnt.ones.xlane vm1  }
0x129: {  	(v2sf) =	vpush v8, $0x0  }
0x12a: {  	(v2sf) =	vpush v63, $0x0;
	_ =	sdelay $0xd  }
0x12b: {  	v8 =	vor.u32 s31, v0;
	s2 =	spop (v2sf)  }
0x12c: {  	[tilespmem:s14+$0x1C080] =	vst.msk vm0, v8;
	s7 =	spop (v2sf)  }
0x12d: {  	[tilespmem:s13+$0x1C130] =	vst.msk vm1, v8;
	s14 =	sadd.s32 s14, s2;
	s13 =	sadd.s32 s13, s7  }
0x12e: {  	p1 =	slt.s32 s14, $0x20;
	p0 =	slt.s32 s13, $0x40  }
0x12f: {  	p3 =	sgt.u32 s0, $0xFE;
	p2 =	por p1, p0  }
0x130: {  	p3 =	por p3, !p2  }
.Ltmp7:
0x131: {  	_ = 	snop;
	(pc) =	sbr.rel @!p3 .LBB2_8-.Ltmp7, $4  }
0x132: {  	_ = 	snop  }
0x133: {  	s25 =	sadd.s32 $0x1, s0  }
0x134: {  	s21 =	sadd.s32 $0x10, s21;
	s20 =	sadd.s32 $0x10, s20;
	s17 =	sadd.s32 $0x10, s17  }
0x135: {  	s16 =	sadd.s32 $0x10, s16;
	s0 =	smov.u32 s25;
	s31 =	sadd.s32 $0x10, s31  }
0x136: {  	p0 =	slt.u32 s15, $0xF  }
0x137: {  	p0 =	por !p0, !p2  }
0x138: {  	p0 =	por !p0, !p0  }
.Ltmp8:
0x139: {  	_ = 	snop;
	(pc) =	sbr.rel @p0 .LBB2_6-.Ltmp8, $4  }
.Ltmp9:
0x13a: {  	_ = 	snop;
	(pc) =	sbr.rel @!p0 .LBB2_10-.Ltmp9, $4  }
0x13b: {  	_ = 	snop  }
0x13c: {  	_ = 	snop  }
0x13d: {  	s15 =	sadd.s32 $0x1, s15;
	s11 =	sadd.s32 $0x1000, s11  }
0x13e: {  	_ = 	snop  }
.LBB2_12:
0x13f: {  	_ =	sfence.sel $0x180000  }
0x140: {  	[bflag:$0x0] =	sbarrier.arrive $0xFFFF  }
0x141: {  	_ =	strace $0x90000047  }
0x142: {  	s0 =	stileid.u32;
	[bflag:$0x2] =	sbarrier.arrive $0xFFFF  }
0x143: {  	p0 =	sne.s32 s0, $0x0;
	s0 =	rddreg [dreg:$0x2]  }
0x144: {  	s0 =	sadd.s32 @!p0 $0x100000, s0  }
0x145: {  	[sflag:s0] =	ssyncadd.tile.s32 @!p0 $0x1;
	_ =	shalt  }
.Lfunc_end2:
_tile_overlayer_lowered:
.L_overlay_start_2:
0x146: {  	(tag) =	ssettag $0x2  }
0x147: {  	s0 =	rddreg [dreg:$0x0];
	s2 =	stileid.u32  }
0x148: {  	s1 =	rddreg [dreg:$0x1];
	p0 =	sne.s32 s2, $0x0  }
0x149: {  	s3 =	rddreg [dreg:$0x2];
	[bflag:$0x3] =	sbarrier.arrive $0xFFFF;
	s2 =	simm.s32 @!p0 $0x1C03  }
0x14a: {  	[timem:s3], [sflag:s2] =	dma.local @!p0 [hbm:s0], s1  }
0x14b: {  	s0 =	simm.s32 @!p0 $0x3  }
0x14c: {  	_ =	swait.ge @!p0 [sflag:s0], s1  }
0x14d: {  	s1 =	ssub.s32 @!p0 $0x0, s1;
	[sflag:s0] =	ssyncset.done @!p0 $0x0  }
0x14e: {  	[sflag:s0] =	ssyncadd.s32 @!p0 s1  }
0x14f: {  	[bflag:$0x3] =	sbarrier.arrive $0xFFFF  }
0x150: {  	_ =	shalt  }

</sc_bundles>
